<compile_context>
chip_gen: v7x
topology: tpu7x:2x2x1
jax: 0.10.2.dev20260603
libtpu: 0.0.44.dev20260713+nightly
codegen_flags: <defaults>
</compile_context>

<pallas_src>
import functools

import jax
import jax.numpy as jnp
import numpy as np
from jax import lax
from jax.experimental import pallas as pl
from jax.experimental.pallas import tpu as pltpu
from jax.experimental.pallas import tpu_sc as plsc

_N = 10000
_E = 320000
_H = 128
_G = 128
_C = 10
_NC = 2
_NS = 16
_NW = _NC * _NS
_CH = 120
_NCHUNK = 84
_CPP = 42
_NRING = 2
_EPW = _NCHUNK * _CH
_EP = _NW * _EPW
_NP = 10240
_RPT = _NP // _NS
_BN = float(1.0 / np.sqrt(1.0 + 1e-5))
_BLK = 2000
_NBLK = _N // _BLK


def _sc_segment_sum(h, src, dst, zrows):
    mesh = plsc.VectorSubcoreMesh(
        core_axis_name="c", subcore_axis_name="s",
        num_cores=_NC, num_subcores=_NS)

    @functools.partial(
        pl.kernel,
        out_type=jax.ShapeDtypeStruct((_NC, _NP, _H), jnp.float32),
        mesh=mesh,
        scratch_types=[
            pltpu.VMEM((_CPP, _CH), jnp.int32),
            pltpu.VMEM((_CPP, _CH), jnp.int32),
            [pltpu.VMEM((_CH, _H), jnp.float32) for _ in range(_NRING)],
            pltpu.VMEM_SHARED((_NP, _H), jnp.float32),
            [pltpu.SemaphoreType.DMA for _ in range(_NRING)],
        ],
    )
    def seg_sum(h_hbm, src_hbm, dst_hbm, z_hbm, out_hbm,
                src_v, dst_v, rows, acc_sh, sems):
        c = lax.axis_index("c")
        s = lax.axis_index("s")
        wid = s * _NC + c
        rbase = s * _RPT

        def phase(p, carry):
            pltpu.sync_copy(src_hbm.at[wid, p], src_v)
            pltpu.sync_copy(dst_hbm.at[wid, p], dst_v)

            for b in range(_NRING):
                pltpu.async_copy(h_hbm.at[src_v.at[b]], rows[b], sems[b])

            @pl.when(p == 0)
            def _():
                pltpu.sync_copy(z_hbm.at[pl.ds(rbase, _RPT)],
                                acc_sh.at[pl.ds(rbase, _RPT)])
                plsc.subcore_barrier()

            def body(j, carry2):
                for b in range(_NRING):
                    ch = _NRING * j + b
                    pltpu.make_async_copy(h_hbm.at[src_v.at[ch]], rows[b],
                                          sems[b]).wait()
                    pltpu.sync_copy(rows[b], acc_sh.at[dst_v.at[ch]],
                                    add=True)

                    @pl.when(ch + _NRING < _CPP)
                    def _():
                        pltpu.async_copy(h_hbm.at[src_v.at[ch + _NRING]],
                                         rows[b], sems[b])
                return carry2

            lax.fori_loop(0, _CPP // _NRING, body, 0)
            return carry

        lax.fori_loop(0, _NCHUNK // _CPP, phase, 0)
        plsc.subcore_barrier()
        pltpu.sync_copy(acc_sh.at[pl.ds(rbase, _RPT)],
                        out_hbm.at[c, pl.ds(rbase, _RPT)])

    return seg_sum(h, src, dst, zrows)


def _mlp_pool_body(h_ref, acc_ref, b_ref, W1_ref, b1_ref, g_ref, be_ref,
                   W2_ref, b2_ref, hout_ref, pool_ref):
    i = pl.program_id(0)
    hin = h_ref[...] + acc_ref[0] + acc_ref[1]
    a = jnp.dot(hin, W1_ref[...], preferred_element_type=jnp.float32)
    a = (a + b1_ref[...]) * (g_ref[...] * _BN) + be_ref[...]
    a = jnp.maximum(a, 0.0)
    hout = jnp.dot(a, W2_ref[...], preferred_element_type=jnp.float32)
    hout = jnp.maximum(hout + b2_ref[...], 0.0)
    hout_ref[...] = hout
    bvals = b_ref[...][:, 0]
    onehot = (lax.broadcasted_iota(jnp.int32, (_G, _BLK), 0)
              == bvals[None, :]).astype(jnp.float32)
    pp = jnp.dot(onehot, hout, preferred_element_type=jnp.float32)

    @pl.when(i == 0)
    def _():
        pool_ref[...] = jnp.zeros_like(pool_ref)

    pool_ref[...] += pp


def _tc_mlp_pool(h, acc, batch2, W1, b1, g, be, W2, b2):
    full = lambda shape: pl.BlockSpec(shape, lambda i: (0,) * len(shape))
    return pl.pallas_call(
        _mlp_pool_body,
        grid=(_NBLK,),
        in_specs=[
            pl.BlockSpec((_BLK, _H), lambda i: (i, 0)),
            pl.BlockSpec((_NC, _BLK, _H), lambda i: (0, i, 0)),
            pl.BlockSpec((_BLK, 1), lambda i: (i, 0)),
            full((_H, _H)), full((1, _H)), full((1, _H)), full((1, _H)),
            full((_H, _H)), full((1, _H)),
        ],
        out_specs=[
            pl.BlockSpec((_BLK, _H), lambda i: (i, 0)),
            pl.BlockSpec((_G, _H), lambda i: (0, 0)),
        ],
        out_shape=[
            jax.ShapeDtypeStruct((_N, _H), jnp.float32),
            jax.ShapeDtypeStruct((_G, _H), jnp.float32),
        ],
    )(h, acc, batch2, W1, b1, g, be, W2, b2)


def _head_body(p_ref, Wf_ref, bf_ref, Wo_ref, bo_ref, lg_ref, lp_ref):
    hf = jnp.dot(p_ref[...], Wf_ref[...], preferred_element_type=jnp.float32)
    hf = jnp.maximum(hf + bf_ref[...], 0.0)
    lg = jnp.dot(hf, Wo_ref[...], preferred_element_type=jnp.float32)
    lg = lg + bo_ref[...]
    m = jnp.max(lg, axis=1, keepdims=True)
    e = jnp.exp(lg - m)
    lse = jnp.log(jnp.sum(e, axis=1, keepdims=True)) + m
    lg_ref[...] = lg
    lp_ref[...] = lg - lse


def _tc_head(pcat, Wfin, bfin, Wo_pad, bo_pad):
    return pl.pallas_call(
        _head_body,
        out_shape=[
            jax.ShapeDtypeStruct((_G, _H), jnp.float32),
            jax.ShapeDtypeStruct((_G, _H), jnp.float32),
        ],
    )(pcat, Wfin, bfin, Wo_pad, bo_pad)


def kernel(x, edge_index, batch, num_layers,
           W1_0, b1_0, g_0, be_0, W2_0, b2_0,
           W1_1, b1_1, g_1, be_1, W2_1, b2_1,
           W1_2, b1_2, g_2, be_2, W2_2, b2_2,
           Wfin, bfin, Wout, bout):
    params = [
        (W1_0, b1_0, g_0, be_0, W2_0, b2_0),
        (W1_1, b1_1, g_1, be_1, W2_1, b2_1),
        (W1_2, b1_2, g_2, be_2, W2_2, b2_2),
    ]
    pad = _EP - _E
    src = jnp.concatenate(
        [edge_index[0], jnp.zeros((pad,), jnp.int32)]).reshape(
            _NW, _NCHUNK // _CPP, _CPP, _CH)
    dst = jnp.concatenate(
        [edge_index[1], jnp.full((pad,), _N, jnp.int32)]).reshape(
            _NW, _NCHUNK // _CPP, _CPP, _CH)
    batch2 = batch.reshape(_N, 1)
    zrows = jnp.zeros((_NP, _H), jnp.float32)

    h = x
    pooled = []
    for (W1, b1, g, be, W2, b2) in params:
        acc = _sc_segment_sum(h, src, dst, zrows)
        h, p = _tc_mlp_pool(h, acc, batch2, W1,
                            b1.reshape(1, _H), g.reshape(1, _H),
                            be.reshape(1, _H), W2, b2.reshape(1, _H))
        pooled.append(p)

    pcat = jnp.concatenate(pooled, axis=1)
    Wo_pad = jnp.pad(Wout, ((0, 0), (0, _H - _C)))
    bo_pad = jnp.concatenate(
        [bout, jnp.full((_H - _C,), -1e30, jnp.float32)]).reshape(1, _H)
    lg, lp = _tc_head(pcat, Wfin, bfin.reshape(1, _H * 3), Wo_pad, bo_pad)
    return (lg[:, :_C], lp[:, :_C])

# --- scband reference (transcript-rebuilt; emitter-appended) ---
"""Pipeline reference for scband-gin-21002390077837 (READ-ONLY COPY).

The authoritative reference and input builder live on the scoring server;
editing this copy changes nothing except your own understanding.
"""

import jax, jax.numpy as jnp
import numpy as np

N = 10000
E = 320000
F = 128
H = 128
L = 3
C = 10
G = 128


def setup_inputs(seed: int = 0):
    key = jax.random.key(seed)
    ks = jax.random.split(key, 64)
    inp = {}
    inp["x"] = jax.random.normal(ks[0], (N, F), dtype=jnp.float32)
    inp["edge_index"] = jax.random.randint(ks[1], (2, E), 0, N, dtype=jnp.int32)
    inp["batch"] = jnp.sort(jax.random.randint(ks[2], (N,), 0, G, dtype=jnp.int32))
    inp["num_layers"] = L
    k = 3
    for i in range(L):
        fin = F if i == 0 else H
        inp[f"W1_{i}"] = jax.random.normal(ks[k], (fin, H), dtype=jnp.float32) * 0.05; k += 1
        inp[f"b1_{i}"] = jnp.zeros((H,), dtype=jnp.float32)
        inp[f"g_{i}"] = jnp.ones((H,), dtype=jnp.float32)
        inp[f"be_{i}"] = jnp.zeros((H,), dtype=jnp.float32)
        inp[f"W2_{i}"] = jax.random.normal(ks[k], (H, H), dtype=jnp.float32) * 0.05; k += 1
        inp[f"b2_{i}"] = jnp.zeros((H,), dtype=jnp.float32)
    inp["Wfin"] = jax.random.normal(ks[k], (H * L, H * L), dtype=jnp.float32) * 0.05; k += 1
    inp["bfin"] = jnp.zeros((H * L,), dtype=jnp.float32)
    inp["Wout"] = jax.random.normal(ks[k], (H * L, C), dtype=jnp.float32) * 0.05; k += 1
    inp["bout"] = jnp.zeros((C,), dtype=jnp.float32)
    return inp


def _bn_eval(h, g, be):
    # eval-mode BatchNorm1d with running_mean=0, running_var=1
    return g * h / jnp.sqrt(1.0 + 1e-5) + be


def reference(x, edge_index, batch, num_layers,
              W1_0, b1_0, g_0, be_0, W2_0, b2_0,
              W1_1, b1_1, g_1, be_1, W2_1, b2_1,
              W1_2, b1_2, g_2, be_2, W2_2, b2_2,
              Wfin, bfin, Wout, bout):
    params = [
        (W1_0, b1_0, g_0, be_0, W2_0, b2_0),
        (W1_1, b1_1, g_1, be_1, W2_1, b2_1),
        (W1_2, b1_2, g_2, be_2, W2_2, b2_2),
    ]
    src = edge_index[0]
    dst = edge_index[1]
    h = x
    pooled = []
    for (W1, b1, g, be, W2, b2) in params:
        # GINConv with eps=0: (1+eps)*x + sum_{j in N(i)} x_j, then MLP
        agg = jax.ops.segment_sum(h[src], dst, num_segments=N)
        h = h + agg
        h = h @ W1 + b1
        h = _bn_eval(h, g, be)
        h = jax.nn.relu(h)
        h = h @ W2 + b2
        h = jax.nn.relu(h)
        pooled.append(jax.ops.segment_sum(h, batch, num_segments=G))
    h_fin = jnp.concatenate(pooled, axis=1)
    h_fin = jax.nn.relu(h_fin @ Wfin + bfin)
    # dropout is identity in eval mode
    logits = h_fin @ Wout + bout
    return (logits, jax.nn.log_softmax(logits, axis=1))

if __name__ == "__main__":
    import jax
    _d = setup_inputs()
    print(jax.jit(kernel)(*tuple(_d.values())))

</pallas_src>

<mosaic_0001>
#map = affine_map<(d0, d1) -> (0, 0)>
#map1 = affine_map<(d0, d1) -> (0, 0, 0, 0)>
#map2 = affine_map<(d0, d1) -> (0, 0, 0)>
module attributes {stable_mosaic.version = 14 : i64} {
  func.func @seg_sum(%arg0: i32, %arg1: i32, %arg2: memref<10000x128xf32, #tpu.memory_space<hbm>>, %arg3: memref<32x2x42x120xi32, #tpu.memory_space<hbm>>, %arg4: memref<32x2x42x120xi32, #tpu.memory_space<hbm>>, %arg5: memref<10240x128xf32, #tpu.memory_space<hbm>>, %arg6: memref<2x10240x128xf32, #tpu.memory_space<hbm>>, %arg7: memref<42x120xi32, #tpu.memory_space<vmem>>, %arg8: memref<42x120xi32, #tpu.memory_space<vmem>>, %arg9: memref<120x128xf32, #tpu.memory_space<vmem>>, %arg10: memref<120x128xf32, #tpu.memory_space<vmem>>, %arg11: memref<10240x128xf32, #tpu.memory_space<vmem_shared>>, %arg12: memref<!tpu.dma_semaphore, #tpu.memory_space<semaphore_mem>>, %arg13: memref<!tpu.dma_semaphore, #tpu.memory_space<semaphore_mem>>) attributes {dimension_semantics = [#tpu.dimension_semantics<core_parallel>, #tpu.dimension_semantics<subcore_parallel>], iteration_bounds = array<i64: 2, 16>, scalar_prefetch = 0 : i64, scratch_operands = 7 : i64, tpu.core_type = #tpu.core_type<sc_vector_subcore>, window_params = [{transform_indices = #map}, {transform_indices = #map1}, {transform_indices = #map1}, {transform_indices = #map}, {transform_indices = #map2}]} {
    %mul3A = arith.constant 2 : i32
    %mul3A_0 = arith.muli %arg1, %mul3A : i32
    %add3A = arith.addi %mul3A_0, %arg0 : i32
    %mul3A_1 = arith.constant 640 : i32
    %mul3A_2 = arith.muli %arg1, %mul3A_1 : i32
    %scan3A = arith.constant 0 : i32
    %scan3A_3 = arith.constant 0 : i32
    %scan3A_4 = arith.constant 2 : i32
    %scan3A_5 = arith.addi %scan3A_3, %scan3A_4 : i32
    %scan3A_6 = arith.constant 1 : i32
    scf.for %scan3A_8 = %scan3A_3 to %scan3A_5 step %scan3A_6  : i32 {
      "tpu.region"() ({
        %run_scoped3A = tpu.sem_alloc : memref<!tpu.dma_semaphore, #tpu.memory_space<semaphore_mem>>
        %dma_start3A_30 = arith.constant 0 : i32
        %dma_start3A_31 = arith.constant 0 : i32
        %dma_start3A_32 = tpu.memref_slice %arg3[%add3A, %scan3A_8, %dma_start3A_30, %dma_start3A_31] : memref<32x2x42x120xi32, #tpu.memory_space<hbm>> -> memref<1x1x42x120xi32, #tpu.memory_space<hbm>>
        %dma_start3A_33 = tpu.memref_squeeze %dma_start3A_32 : memref<1x1x42x120xi32, #tpu.memory_space<hbm>> -> memref<42x120xi32, #tpu.memory_space<hbm>>
        %dma_start3A_34 = arith.constant 0 : i32
        %dma_start3A_35 = arith.constant 0 : i32
        %dma_start3A_36 = tpu.memref_slice %arg3[%add3A, %scan3A_8, %dma_start3A_34, %dma_start3A_35] : memref<32x2x42x120xi32, #tpu.memory_space<hbm>> -> memref<1x1x42x120xi32, #tpu.memory_space<hbm>>
        %dma_start3A_37 = tpu.memref_squeeze %dma_start3A_36 : memref<1x1x42x120xi32, #tpu.memory_space<hbm>> -> memref<42x120xi32, #tpu.memory_space<hbm>>
        tpu.enqueue_dma source(%dma_start3A_37 : memref<42x120xi32, #tpu.memory_space<hbm>>) target(%arg7 : memref<42x120xi32, #tpu.memory_space<vmem>>) target_semaphore(%run_scoped3A : memref<!tpu.dma_semaphore, #tpu.memory_space<semaphore_mem>>)
        %dma_wait3A = arith.constant 0 : i32
        %dma_wait3A_38 = arith.constant 0 : i32
        %dma_wait3A_39 = tpu.memref_slice %arg3[%add3A, %scan3A_8, %dma_wait3A, %dma_wait3A_38] : memref<32x2x42x120xi32, #tpu.memory_space<hbm>> -> memref<1x1x42x120xi32, #tpu.memory_space<hbm>>
        %dma_wait3A_40 = tpu.memref_squeeze %dma_wait3A_39 : memref<1x1x42x120xi32, #tpu.memory_space<hbm>> -> memref<42x120xi32, #tpu.memory_space<hbm>>
        %dma_wait3A_41 = arith.constant 0 : i32
        %dma_wait3A_42 = arith.constant 0 : i32
        %dma_wait3A_43 = tpu.memref_slice %arg3[%add3A, %scan3A_8, %dma_wait3A_41, %dma_wait3A_42] : memref<32x2x42x120xi32, #tpu.memory_space<hbm>> -> memref<1x1x42x120xi32, #tpu.memory_space<hbm>>
        %dma_wait3A_44 = tpu.memref_squeeze %dma_wait3A_43 : memref<1x1x42x120xi32, #tpu.memory_space<hbm>> -> memref<42x120xi32, #tpu.memory_space<hbm>>
        tpu.wait_dma2 semaphore(%run_scoped3A : memref<!tpu.dma_semaphore, #tpu.memory_space<semaphore_mem>>) src(%dma_wait3A_44 : memref<42x120xi32, #tpu.memory_space<hbm>>) dst(%arg7 : memref<42x120xi32, #tpu.memory_space<vmem>>)
        tpu.yield
      }) : () -> ()
      "tpu.region"() ({
        %run_scoped3A = tpu.sem_alloc : memref<!tpu.dma_semaphore, #tpu.memory_space<semaphore_mem>>
        %dma_start3A_30 = arith.constant 0 : i32
        %dma_start3A_31 = arith.constant 0 : i32
        %dma_start3A_32 = tpu.memref_slice %arg4[%add3A, %scan3A_8, %dma_start3A_30, %dma_start3A_31] : memref<32x2x42x120xi32, #tpu.memory_space<hbm>> -> memref<1x1x42x120xi32, #tpu.memory_space<hbm>>
        %dma_start3A_33 = tpu.memref_squeeze %dma_start3A_32 : memref<1x1x42x120xi32, #tpu.memory_space<hbm>> -> memref<42x120xi32, #tpu.memory_space<hbm>>
        %dma_start3A_34 = arith.constant 0 : i32
        %dma_start3A_35 = arith.constant 0 : i32
        %dma_start3A_36 = tpu.memref_slice %arg4[%add3A, %scan3A_8, %dma_start3A_34, %dma_start3A_35] : memref<32x2x42x120xi32, #tpu.memory_space<hbm>> -> memref<1x1x42x120xi32, #tpu.memory_space<hbm>>
        %dma_start3A_37 = tpu.memref_squeeze %dma_start3A_36 : memref<1x1x42x120xi32, #tpu.memory_space<hbm>> -> memref<42x120xi32, #tpu.memory_space<hbm>>
        tpu.enqueue_dma source(%dma_start3A_37 : memref<42x120xi32, #tpu.memory_space<hbm>>) target(%arg8 : memref<42x120xi32, #tpu.memory_space<vmem>>) target_semaphore(%run_scoped3A : memref<!tpu.dma_semaphore, #tpu.memory_space<semaphore_mem>>)
        %dma_wait3A = arith.constant 0 : i32
        %dma_wait3A_38 = arith.constant 0 : i32
        %dma_wait3A_39 = tpu.memref_slice %arg4[%add3A, %scan3A_8, %dma_wait3A, %dma_wait3A_38] : memref<32x2x42x120xi32, #tpu.memory_space<hbm>> -> memref<1x1x42x120xi32, #tpu.memory_space<hbm>>
        %dma_wait3A_40 = tpu.memref_squeeze %dma_wait3A_39 : memref<1x1x42x120xi32, #tpu.memory_space<hbm>> -> memref<42x120xi32, #tpu.memory_space<hbm>>
        %dma_wait3A_41 = arith.constant 0 : i32
        %dma_wait3A_42 = arith.constant 0 : i32
        %dma_wait3A_43 = tpu.memref_slice %arg4[%add3A, %scan3A_8, %dma_wait3A_41, %dma_wait3A_42] : memref<32x2x42x120xi32, #tpu.memory_space<hbm>> -> memref<1x1x42x120xi32, #tpu.memory_space<hbm>>
        %dma_wait3A_44 = tpu.memref_squeeze %dma_wait3A_43 : memref<1x1x42x120xi32, #tpu.memory_space<hbm>> -> memref<42x120xi32, #tpu.memory_space<hbm>>
        tpu.wait_dma2 semaphore(%run_scoped3A : memref<!tpu.dma_semaphore, #tpu.memory_space<semaphore_mem>>) src(%dma_wait3A_44 : memref<42x120xi32, #tpu.memory_space<hbm>>) dst(%arg8 : memref<42x120xi32, #tpu.memory_space<vmem>>)
        tpu.yield
      }) : () -> ()
      %dma_start3A = arith.constant 0 : i32
      %dma_start3A_9 = arith.constant 0 : i32
      %dma_start3A_10 = tpu.memref_slice %arg7[%dma_start3A, %dma_start3A_9] : memref<42x120xi32, #tpu.memory_space<vmem>> -> memref<1x120xi32, #tpu.memory_space<vmem>>
      %dma_start3A_11 = tpu.memref_squeeze %dma_start3A_10 : memref<1x120xi32, #tpu.memory_space<vmem>> -> memref<120xi32, #tpu.memory_space<vmem>>
      %dma_start3A_12 = arith.constant 0 : i32
      %dma_start3A_13 = arith.constant 0 : i32
      %dma_start3A_14 = tpu.memref_slice %arg2[%dma_start3A_12, %dma_start3A_13] : memref<10000x128xf32, #tpu.memory_space<hbm>> -> memref<10000x128xf32, #tpu.memory_space<hbm>>
      tpu.enqueue_indirect_dma source(%dma_start3A_14 : memref<10000x128xf32, #tpu.memory_space<hbm>>) target(%arg9 : memref<120x128xf32, #tpu.memory_space<vmem>>) offsets(%dma_start3A_11 : memref<120xi32, #tpu.memory_space<vmem>>) semaphore(%arg12 : memref<!tpu.dma_semaphore, #tpu.memory_space<semaphore_mem>>)
      %dma_start3A_15 = arith.constant 1 : i32
      %dma_start3A_16 = arith.constant 0 : i32
      %dma_start3A_17 = tpu.memref_slice %arg7[%dma_start3A_15, %dma_start3A_16] : memref<42x120xi32, #tpu.memory_space<vmem>> -> memref<1x120xi32, #tpu.memory_space<vmem>>
      %dma_start3A_18 = tpu.memref_squeeze %dma_start3A_17 : memref<1x120xi32, #tpu.memory_space<vmem>> -> memref<120xi32, #tpu.memory_space<vmem>>
      %dma_start3A_19 = arith.constant 0 : i32
      %dma_start3A_20 = arith.constant 0 : i32
      %dma_start3A_21 = tpu.memref_slice %arg2[%dma_start3A_19, %dma_start3A_20] : memref<10000x128xf32, #tpu.memory_space<hbm>> -> memref<10000x128xf32, #tpu.memory_space<hbm>>
      tpu.enqueue_indirect_dma source(%dma_start3A_21 : memref<10000x128xf32, #tpu.memory_space<hbm>>) target(%arg10 : memref<120x128xf32, #tpu.memory_space<vmem>>) offsets(%dma_start3A_18 : memref<120xi32, #tpu.memory_space<vmem>>) semaphore(%arg13 : memref<!tpu.dma_semaphore, #tpu.memory_space<semaphore_mem>>)
      %eq3A = arith.constant 0 : i32
      %eq3A_22 = arith.cmpi eq, %scan3A_8, %eq3A : i32
      %convert_element_type3A = arith.extui %eq3A_22 : i1 to i32
      %cond3A = arith.constant 0 : i32
      %cond3A_23 = arith.cmpi ne, %convert_element_type3A, %cond3A : i32
      scf.if %cond3A_23 {
        "tpu.region"() ({
          %run_scoped3A = tpu.sem_alloc : memref<!tpu.dma_semaphore, #tpu.memory_space<semaphore_mem>>
          %dma_start3A_31 = arith.constant 0 : i32
          %dma_start3A_32 = tpu.memref_slice %arg11[%mul3A_2, %dma_start3A_31] : memref<10240x128xf32, #tpu.memory_space<vmem_shared>> -> memref<640x128xf32, #tpu.memory_space<vmem_shared>>
          %dma_start3A_33 = arith.constant 0 : i32
          %dma_start3A_34 = tpu.memref_slice %arg5[%mul3A_2, %dma_start3A_33] : memref<10240x128xf32, #tpu.memory_space<hbm>> -> memref<640x128xf32, #tpu.memory_space<hbm>>
          tpu.enqueue_dma source(%dma_start3A_34 : memref<640x128xf32, #tpu.memory_space<hbm>>) target(%dma_start3A_32 : memref<640x128xf32, #tpu.memory_space<vmem_shared>>) target_semaphore(%run_scoped3A : memref<!tpu.dma_semaphore, #tpu.memory_space<semaphore_mem>>)
          %dma_wait3A = arith.constant 0 : i32
          %dma_wait3A_35 = tpu.memref_slice %arg11[%mul3A_2, %dma_wait3A] : memref<10240x128xf32, #tpu.memory_space<vmem_shared>> -> memref<640x128xf32, #tpu.memory_space<vmem_shared>>
          %dma_wait3A_36 = arith.constant 0 : i32
          %dma_wait3A_37 = tpu.memref_slice %arg5[%mul3A_2, %dma_wait3A_36] : memref<10240x128xf32, #tpu.memory_space<hbm>> -> memref<640x128xf32, #tpu.memory_space<hbm>>
          tpu.wait_dma2 semaphore(%run_scoped3A : memref<!tpu.dma_semaphore, #tpu.memory_space<semaphore_mem>>) src(%dma_wait3A_37 : memref<640x128xf32, #tpu.memory_space<hbm>>) dst(%dma_wait3A_35 : memref<640x128xf32, #tpu.memory_space<vmem_shared>>)
          tpu.yield
        }) : () -> ()
        %barrier3A_30 = arith.constant 0 : index
        tpu.barrier barrier_id(%barrier3A_30)
      } else {
      }
      %scan3A_24 = arith.constant 0 : i32
      %scan3A_25 = arith.constant 0 : i32
      %scan3A_26 = arith.constant 21 : i32
      %scan3A_27 = arith.addi %scan3A_25, %scan3A_26 : i32
      %scan3A_28 = arith.constant 1 : i32
      scf.for %scan3A_30 = %scan3A_25 to %scan3A_27 step %scan3A_28  : i32 {
        %mul3A_31 = arith.constant 2 : i32
        %mul3A_32 = arith.muli %mul3A_31, %scan3A_30 : i32
        %add3A_33 = arith.constant 0 : i32
        %add3A_34 = arith.addi %mul3A_32, %add3A_33 : i32
        %dma_wait3A = arith.constant 0 : i32
        %dma_wait3A_35 = tpu.memref_slice %arg7[%add3A_34, %dma_wait3A] : memref<42x120xi32, #tpu.memory_space<vmem>> -> memref<1x120xi32, #tpu.memory_space<vmem>>
        %dma_wait3A_36 = tpu.memref_squeeze %dma_wait3A_35 : memref<1x120xi32, #tpu.memory_space<vmem>> -> memref<120xi32, #tpu.memory_space<vmem>>
        %dma_wait3A_37 = arith.constant 0 : i32
        %dma_wait3A_38 = arith.constant 0 : i32
        %dma_wait3A_39 = tpu.memref_slice %arg2[%dma_wait3A_37, %dma_wait3A_38] : memref<10000x128xf32, #tpu.memory_space<hbm>> -> memref<10000x128xf32, #tpu.memory_space<hbm>>
        tpu.wait_indirect_dma semaphore(%arg12 : memref<!tpu.dma_semaphore, #tpu.memory_space<semaphore_mem>>) src(%dma_wait3A_39 : memref<10000x128xf32, #tpu.memory_space<hbm>>) dst(%arg9 : memref<120x128xf32, #tpu.memory_space<vmem>>)
        "tpu.region"() ({
          %run_scoped3A = tpu.sem_alloc : memref<!tpu.dma_semaphore, #tpu.memory_space<semaphore_mem>>
          %dma_start3A_63 = arith.constant 0 : i32
          %dma_start3A_64 = tpu.memref_slice %arg8[%add3A_34, %dma_start3A_63] : memref<42x120xi32, #tpu.memory_space<vmem>> -> memref<1x120xi32, #tpu.memory_space<vmem>>
          %dma_start3A_65 = tpu.memref_squeeze %dma_start3A_64 : memref<1x120xi32, #tpu.memory_space<vmem>> -> memref<120xi32, #tpu.memory_space<vmem>>
          %dma_start3A_66 = arith.constant 0 : i32
          %dma_start3A_67 = arith.constant 0 : i32
          %dma_start3A_68 = tpu.memref_slice %arg11[%dma_start3A_66, %dma_start3A_67] : memref<10240x128xf32, #tpu.memory_space<vmem_shared>> -> memref<10240x128xf32, #tpu.memory_space<vmem_shared>>
          tpu.enqueue_indirect_dma source(%arg9 : memref<120x128xf32, #tpu.memory_space<vmem>>) target(%dma_start3A_68 : memref<10240x128xf32, #tpu.memory_space<vmem_shared>>) offsets(%dma_start3A_65 : memref<120xi32, #tpu.memory_space<vmem>>) semaphore(%run_scoped3A : memref<!tpu.dma_semaphore, #tpu.memory_space<semaphore_mem>>) {add = true}
          %dma_wait3A_69 = arith.constant 0 : i32
          %dma_wait3A_70 = tpu.memref_slice %arg8[%add3A_34, %dma_wait3A_69] : memref<42x120xi32, #tpu.memory_space<vmem>> -> memref<1x120xi32, #tpu.memory_space<vmem>>
          %dma_wait3A_71 = tpu.memref_squeeze %dma_wait3A_70 : memref<1x120xi32, #tpu.memory_space<vmem>> -> memref<120xi32, #tpu.memory_space<vmem>>
          %dma_wait3A_72 = arith.constant 0 : i32
          %dma_wait3A_73 = arith.constant 0 : i32
          %dma_wait3A_74 = tpu.memref_slice %arg11[%dma_wait3A_72, %dma_wait3A_73] : memref<10240x128xf32, #tpu.memory_space<vmem_shared>> -> memref<10240x128xf32, #tpu.memory_space<vmem_shared>>
          tpu.wait_indirect_dma semaphore(%run_scoped3A : memref<!tpu.dma_semaphore, #tpu.memory_space<semaphore_mem>>) src(%arg9 : memref<120x128xf32, #tpu.memory_space<vmem>>) dst(%dma_wait3A_74 : memref<10240x128xf32, #tpu.memory_space<vmem_shared>>)
          tpu.yield
        }) : () -> ()
        %add3A_40 = arith.constant 2 : i32
        %add3A_41 = arith.addi %add3A_34, %add3A_40 : i32
        %lt3A = arith.constant 42 : i32
        %lt3A_42 = arith.cmpi slt, %add3A_41, %lt3A : i32
        %convert_element_type3A_43 = arith.extui %lt3A_42 : i1 to i32
        %cond3A_44 = arith.constant 0 : i32
        %cond3A_45 = arith.cmpi ne, %convert_element_type3A_43, %cond3A_44 : i32
        scf.if %cond3A_45 {
          %add3A_63 = arith.constant 2 : i32
          %add3A_64 = arith.addi %add3A_34, %add3A_63 : i32
          %dma_start3A_65 = arith.constant 0 : i32
          %dma_start3A_66 = tpu.memref_slice %arg7[%add3A_64, %dma_start3A_65] : memref<42x120xi32, #tpu.memory_space<vmem>> -> memref<1x120xi32, #tpu.memory_space<vmem>>
          %dma_start3A_67 = tpu.memref_squeeze %dma_start3A_66 : memref<1x120xi32, #tpu.memory_space<vmem>> -> memref<120xi32, #tpu.memory_space<vmem>>
          %dma_start3A_68 = arith.constant 0 : i32
          %dma_start3A_69 = arith.constant 0 : i32
          %dma_start3A_70 = tpu.memref_slice %arg2[%dma_start3A_68, %dma_start3A_69] : memref<10000x128xf32, #tpu.memory_space<hbm>> -> memref<10000x128xf32, #tpu.memory_space<hbm>>
          tpu.enqueue_indirect_dma source(%dma_start3A_70 : memref<10000x128xf32, #tpu.memory_space<hbm>>) target(%arg9 : memref<120x128xf32, #tpu.memory_space<vmem>>) offsets(%dma_start3A_67 : memref<120xi32, #tpu.memory_space<vmem>>) semaphore(%arg12 : memref<!tpu.dma_semaphore, #tpu.memory_space<semaphore_mem>>)
        } else {
        }
        %mul3A_46 = arith.constant 2 : i32
        %mul3A_47 = arith.muli %mul3A_46, %scan3A_30 : i32
        %add3A_48 = arith.constant 1 : i32
        %add3A_49 = arith.addi %mul3A_47, %add3A_48 : i32
        %dma_wait3A_50 = arith.constant 0 : i32
        %dma_wait3A_51 = tpu.memref_slice %arg7[%add3A_49, %dma_wait3A_50] : memref<42x120xi32, #tpu.memory_space<vmem>> -> memref<1x120xi32, #tpu.memory_space<vmem>>
        %dma_wait3A_52 = tpu.memref_squeeze %dma_wait3A_51 : memref<1x120xi32, #tpu.memory_space<vmem>> -> memref<120xi32, #tpu.memory_space<vmem>>
        %dma_wait3A_53 = arith.constant 0 : i32
        %dma_wait3A_54 = arith.constant 0 : i32
        %dma_wait3A_55 = tpu.memref_slice %arg2[%dma_wait3A_53, %dma_wait3A_54] : memref<10000x128xf32, #tpu.memory_space<hbm>> -> memref<10000x128xf32, #tpu.memory_space<hbm>>
        tpu.wait_indirect_dma semaphore(%arg13 : memref<!tpu.dma_semaphore, #tpu.memory_space<semaphore_mem>>) src(%dma_wait3A_55 : memref<10000x128xf32, #tpu.memory_space<hbm>>) dst(%arg10 : memref<120x128xf32, #tpu.memory_space<vmem>>)
        "tpu.region"() ({
          %run_scoped3A = tpu.sem_alloc : memref<!tpu.dma_semaphore, #tpu.memory_space<semaphore_mem>>
          %dma_start3A_63 = arith.constant 0 : i32
          %dma_start3A_64 = tpu.memref_slice %arg8[%add3A_49, %dma_start3A_63] : memref<42x120xi32, #tpu.memory_space<vmem>> -> memref<1x120xi32, #tpu.memory_space<vmem>>
          %dma_start3A_65 = tpu.memref_squeeze %dma_start3A_64 : memref<1x120xi32, #tpu.memory_space<vmem>> -> memref<120xi32, #tpu.memory_space<vmem>>
          %dma_start3A_66 = arith.constant 0 : i32
          %dma_start3A_67 = arith.constant 0 : i32
          %dma_start3A_68 = tpu.memref_slice %arg11[%dma_start3A_66, %dma_start3A_67] : memref<10240x128xf32, #tpu.memory_space<vmem_shared>> -> memref<10240x128xf32, #tpu.memory_space<vmem_shared>>
          tpu.enqueue_indirect_dma source(%arg10 : memref<120x128xf32, #tpu.memory_space<vmem>>) target(%dma_start3A_68 : memref<10240x128xf32, #tpu.memory_space<vmem_shared>>) offsets(%dma_start3A_65 : memref<120xi32, #tpu.memory_space<vmem>>) semaphore(%run_scoped3A : memref<!tpu.dma_semaphore, #tpu.memory_space<semaphore_mem>>) {add = true}
          %dma_wait3A_69 = arith.constant 0 : i32
          %dma_wait3A_70 = tpu.memref_slice %arg8[%add3A_49, %dma_wait3A_69] : memref<42x120xi32, #tpu.memory_space<vmem>> -> memref<1x120xi32, #tpu.memory_space<vmem>>
          %dma_wait3A_71 = tpu.memref_squeeze %dma_wait3A_70 : memref<1x120xi32, #tpu.memory_space<vmem>> -> memref<120xi32, #tpu.memory_space<vmem>>
          %dma_wait3A_72 = arith.constant 0 : i32
          %dma_wait3A_73 = arith.constant 0 : i32
          %dma_wait3A_74 = tpu.memref_slice %arg11[%dma_wait3A_72, %dma_wait3A_73] : memref<10240x128xf32, #tpu.memory_space<vmem_shared>> -> memref<10240x128xf32, #tpu.memory_space<vmem_shared>>
          tpu.wait_indirect_dma semaphore(%run_scoped3A : memref<!tpu.dma_semaphore, #tpu.memory_space<semaphore_mem>>) src(%arg10 : memref<120x128xf32, #tpu.memory_space<vmem>>) dst(%dma_wait3A_74 : memref<10240x128xf32, #tpu.memory_space<vmem_shared>>)
          tpu.yield
        }) : () -> ()
        %add3A_56 = arith.constant 2 : i32
        %add3A_57 = arith.addi %add3A_49, %add3A_56 : i32
        %lt3A_58 = arith.constant 42 : i32
        %lt3A_59 = arith.cmpi slt, %add3A_57, %lt3A_58 : i32
        %convert_element_type3A_60 = arith.extui %lt3A_59 : i1 to i32
        %cond3A_61 = arith.constant 0 : i32
        %cond3A_62 = arith.cmpi ne, %convert_element_type3A_60, %cond3A_61 : i32
        scf.if %cond3A_62 {
          %add3A_63 = arith.constant 2 : i32
          %add3A_64 = arith.addi %add3A_49, %add3A_63 : i32
          %dma_start3A_65 = arith.constant 0 : i32
          %dma_start3A_66 = tpu.memref_slice %arg7[%add3A_64, %dma_start3A_65] : memref<42x120xi32, #tpu.memory_space<vmem>> -> memref<1x120xi32, #tpu.memory_space<vmem>>
          %dma_start3A_67 = tpu.memref_squeeze %dma_start3A_66 : memref<1x120xi32, #tpu.memory_space<vmem>> -> memref<120xi32, #tpu.memory_space<vmem>>
          %dma_start3A_68 = arith.constant 0 : i32
          %dma_start3A_69 = arith.constant 0 : i32
          %dma_start3A_70 = tpu.memref_slice %arg2[%dma_start3A_68, %dma_start3A_69] : memref<10000x128xf32, #tpu.memory_space<hbm>> -> memref<10000x128xf32, #tpu.memory_space<hbm>>
          tpu.enqueue_indirect_dma source(%dma_start3A_70 : memref<10000x128xf32, #tpu.memory_space<hbm>>) target(%arg10 : memref<120x128xf32, #tpu.memory_space<vmem>>) offsets(%dma_start3A_67 : memref<120xi32, #tpu.memory_space<vmem>>) semaphore(%arg13 : memref<!tpu.dma_semaphore, #tpu.memory_space<semaphore_mem>>)
        } else {
        }
      }
      %scan3A_29 = arith.constant 21 : i32
    }
    %scan3A_7 = arith.constant 2 : i32
    %barrier3A = arith.constant 0 : index
    tpu.barrier barrier_id(%barrier3A)
    "tpu.region"() ({
      %run_scoped3A = tpu.sem_alloc : memref<!tpu.dma_semaphore, #tpu.memory_space<semaphore_mem>>
      %dma_start3A = arith.constant 0 : i32
      %dma_start3A_8 = tpu.memref_slice %arg6[%arg0, %mul3A_2, %dma_start3A] : memref<2x10240x128xf32, #tpu.memory_space<hbm>> -> memref<1x640x128xf32, #tpu.memory_space<hbm>>
      %dma_start3A_9 = tpu.memref_squeeze %dma_start3A_8 : memref<1x640x128xf32, #tpu.memory_space<hbm>> -> memref<640x128xf32, #tpu.memory_space<hbm>>
      %dma_start3A_10 = arith.constant 0 : i32
      %dma_start3A_11 = tpu.memref_slice %arg11[%mul3A_2, %dma_start3A_10] : memref<10240x128xf32, #tpu.memory_space<vmem_shared>> -> memref<640x128xf32, #tpu.memory_space<vmem_shared>>
      tpu.enqueue_dma source(%dma_start3A_11 : memref<640x128xf32, #tpu.memory_space<vmem_shared>>) target(%dma_start3A_9 : memref<640x128xf32, #tpu.memory_space<hbm>>) target_semaphore(%run_scoped3A : memref<!tpu.dma_semaphore, #tpu.memory_space<semaphore_mem>>)
      %dma_wait3A = arith.constant 0 : i32
      %dma_wait3A_12 = tpu.memref_slice %arg6[%arg0, %mul3A_2, %dma_wait3A] : memref<2x10240x128xf32, #tpu.memory_space<hbm>> -> memref<1x640x128xf32, #tpu.memory_space<hbm>>
      %dma_wait3A_13 = tpu.memref_squeeze %dma_wait3A_12 : memref<1x640x128xf32, #tpu.memory_space<hbm>> -> memref<640x128xf32, #tpu.memory_space<hbm>>
      %dma_wait3A_14 = arith.constant 0 : i32
      %dma_wait3A_15 = tpu.memref_slice %arg11[%mul3A_2, %dma_wait3A_14] : memref<10240x128xf32, #tpu.memory_space<vmem_shared>> -> memref<640x128xf32, #tpu.memory_space<vmem_shared>>
      tpu.wait_dma2 semaphore(%run_scoped3A : memref<!tpu.dma_semaphore, #tpu.memory_space<semaphore_mem>>) src(%dma_wait3A_15 : memref<640x128xf32, #tpu.memory_space<vmem_shared>>) dst(%dma_wait3A_13 : memref<640x128xf32, #tpu.memory_space<hbm>>)
      tpu.yield
    }) : () -> ()
    return
  }
}

#map = affine_map<(d0, d1) -> (0, 0)>
#map1 = affine_map<(d0, d1) -> (0, 0, 0, 0)>
#map2 = affine_map<(d0, d1) -> (0, 0, 0)>
module attributes {stable_mosaic.version = 14 : i64} {
  func.func @seg_sum(%arg0: i32, %arg1: i32, %arg2: memref<10000x128xf32, #tpu.memory_space<hbm>>, %arg3: memref<32x2x42x120xi32, #tpu.memory_space<hbm>>, %arg4: memref<32x2x42x120xi32, #tpu.memory_space<hbm>>, %arg5: memref<10240x128xf32, #tpu.memory_space<hbm>>, %arg6: memref<2x10240x128xf32, #tpu.memory_space<hbm>>, %arg7: memref<42x120xi32, #tpu.memory_space<vmem>>, %arg8: memref<42x120xi32, #tpu.memory_space<vmem>>, %arg9: memref<120x128xf32, #tpu.memory_space<vmem>>, %arg10: memref<120x128xf32, #tpu.memory_space<vmem>>, %arg11: memref<10240x128xf32, #tpu.memory_space<vmem_shared>>, %arg12: memref<!tpu.dma_semaphore, #tpu.memory_space<semaphore_mem>>, %arg13: memref<!tpu.dma_semaphore, #tpu.memory_space<semaphore_mem>>) attributes {dimension_semantics = [#tpu.dimension_semantics<core_parallel>, #tpu.dimension_semantics<subcore_parallel>], iteration_bounds = array<i64: 2, 16>, scalar_prefetch = 0 : i64, scratch_operands = 7 : i64, tpu.core_type = #tpu.core_type<sc_vector_subcore>, window_params = [{transform_indices = #map}, {transform_indices = #map1}, {transform_indices = #map1}, {transform_indices = #map}, {transform_indices = #map2}]} {
    %mul3A = arith.constant 2 : i32
    %mul3A_0 = arith.muli %arg1, %mul3A : i32
    %add3A = arith.addi %mul3A_0, %arg0 : i32
    %mul3A_1 = arith.constant 640 : i32
    %mul3A_2 = arith.muli %arg1, %mul3A_1 : i32
    %scan3A = arith.constant 0 : i32
    %scan3A_3 = arith.constant 0 : i32
    %scan3A_4 = arith.constant 2 : i32
    %scan3A_5 = arith.addi %scan3A_3, %scan3A_4 : i32
    %scan3A_6 = arith.constant 1 : i32
    scf.for %scan3A_8 = %scan3A_3 to %scan3A_5 step %scan3A_6  : i32 {
      "tpu.region"() ({
        %run_scoped3A = tpu.sem_alloc : memref<!tpu.dma_semaphore, #tpu.memory_space<semaphore_mem>>
        %dma_start3A_30 = arith.constant 0 : i32
        %dma_start3A_31 = arith.constant 0 : i32
        %dma_start3A_32 = tpu.memref_slice %arg3[%add3A, %scan3A_8, %dma_start3A_30, %dma_start3A_31] : memref<32x2x42x120xi32, #tpu.memory_space<hbm>> -> memref<1x1x42x120xi32, #tpu.memory_space<hbm>>
        %dma_start3A_33 = tpu.memref_squeeze %dma_start3A_32 : memref<1x1x42x120xi32, #tpu.memory_space<hbm>> -> memref<42x120xi32, #tpu.memory_space<hbm>>
        %dma_start3A_34 = arith.constant 0 : i32
        %dma_start3A_35 = arith.constant 0 : i32
        %dma_start3A_36 = tpu.memref_slice %arg3[%add3A, %scan3A_8, %dma_start3A_34, %dma_start3A_35] : memref<32x2x42x120xi32, #tpu.memory_space<hbm>> -> memref<1x1x42x120xi32, #tpu.memory_space<hbm>>
        %dma_start3A_37 = tpu.memref_squeeze %dma_start3A_36 : memref<1x1x42x120xi32, #tpu.memory_space<hbm>> -> memref<42x120xi32, #tpu.memory_space<hbm>>
        tpu.enqueue_dma source(%dma_start3A_37 : memref<42x120xi32, #tpu.memory_space<hbm>>) target(%arg7 : memref<42x120xi32, #tpu.memory_space<vmem>>) target_semaphore(%run_scoped3A : memref<!tpu.dma_semaphore, #tpu.memory_space<semaphore_mem>>)
        %dma_wait3A = arith.constant 0 : i32
        %dma_wait3A_38 = arith.constant 0 : i32
        %dma_wait3A_39 = tpu.memref_slice %arg3[%add3A, %scan3A_8, %dma_wait3A, %dma_wait3A_38] : memref<32x2x42x120xi32, #tpu.memory_space<hbm>> -> memref<1x1x42x120xi32, #tpu.memory_space<hbm>>
        %dma_wait3A_40 = tpu.memref_squeeze %dma_wait3A_39 : memref<1x1x42x120xi32, #tpu.memory_space<hbm>> -> memref<42x120xi32, #tpu.memory_space<hbm>>
        %dma_wait3A_41 = arith.constant 0 : i32
        %dma_wait3A_42 = arith.constant 0 : i32
        %dma_wait3A_43 = tpu.memref_slice %arg3[%add3A, %scan3A_8, %dma_wait3A_41, %dma_wait3A_42] : memref<32x2x42x120xi32, #tpu.memory_space<hbm>> -> memref<1x1x42x120xi32, #tpu.memory_space<hbm>>
        %dma_wait3A_44 = tpu.memref_squeeze %dma_wait3A_43 : memref<1x1x42x120xi32, #tpu.memory_space<hbm>> -> memref<42x120xi32, #tpu.memory_space<hbm>>
        tpu.wait_dma2 semaphore(%run_scoped3A : memref<!tpu.dma_semaphore, #tpu.memory_space<semaphore_mem>>) src(%dma_wait3A_44 : memref<42x120xi32, #tpu.memory_space<hbm>>) dst(%arg7 : memref<42x120xi32, #tpu.memory_space<vmem>>)
        tpu.yield
      }) : () -> ()
      "tpu.region"() ({
        %run_scoped3A = tpu.sem_alloc : memref<!tpu.dma_semaphore, #tpu.memory_space<semaphore_mem>>
        %dma_start3A_30 = arith.constant 0 : i32
        %dma_start3A_31 = arith.constant 0 : i32
        %dma_start3A_32 = tpu.memref_slice %arg4[%add3A, %scan3A_8, %dma_start3A_30, %dma_start3A_31] : memref<32x2x42x120xi32, #tpu.memory_space<hbm>> -> memref<1x1x42x120xi32, #tpu.memory_space<hbm>>
        %dma_start3A_33 = tpu.memref_squeeze %dma_start3A_32 : memref<1x1x42x120xi32, #tpu.memory_space<hbm>> -> memref<42x120xi32, #tpu.memory_space<hbm>>
        %dma_start3A_34 = arith.constant 0 : i32
        %dma_start3A_35 = arith.constant 0 : i32
        %dma_start3A_36 = tpu.memref_slice %arg4[%add3A, %scan3A_8, %dma_start3A_34, %dma_start3A_35] : memref<32x2x42x120xi32, #tpu.memory_space<hbm>> -> memref<1x1x42x120xi32, #tpu.memory_space<hbm>>
        %dma_start3A_37 = tpu.memref_squeeze %dma_start3A_36 : memref<1x1x42x120xi32, #tpu.memory_space<hbm>> -> memref<42x120xi32, #tpu.memory_space<hbm>>
        tpu.enqueue_dma source(%dma_start3A_37 : memref<42x120xi32, #tpu.memory_space<hbm>>) target(%arg8 : memref<42x120xi32, #tpu.memory_space<vmem>>) target_semaphore(%run_scoped3A : memref<!tpu.dma_semaphore, #tpu.memory_space<semaphore_mem>>)
        %dma_wait3A = arith.constant 0 : i32
        %dma_wait3A_38 = arith.constant 0 : i32
        %dma_wait3A_39 = tpu.memref_slice %arg4[%add3A, %scan3A_8, %dma_wait3A, %dma_wait3A_38] : memref<32x2x42x120xi32, #tpu.memory_space<hbm>> -> memref<1x1x42x120xi32, #tpu.memory_space<hbm>>
        %dma_wait3A_40 = tpu.memref_squeeze %dma_wait3A_39 : memref<1x1x42x120xi32, #tpu.memory_space<hbm>> -> memref<42x120xi32, #tpu.memory_space<hbm>>
        %dma_wait3A_41 = arith.constant 0 : i32
        %dma_wait3A_42 = arith.constant 0 : i32
        %dma_wait3A_43 = tpu.memref_slice %arg4[%add3A, %scan3A_8, %dma_wait3A_41, %dma_wait3A_42] : memref<32x2x42x120xi32, #tpu.memory_space<hbm>> -> memref<1x1x42x120xi32, #tpu.memory_space<hbm>>
        %dma_wait3A_44 = tpu.memref_squeeze %dma_wait3A_43 : memref<1x1x42x120xi32, #tpu.memory_space<hbm>> -> memref<42x120xi32, #tpu.memory_space<hbm>>
        tpu.wait_dma2 semaphore(%run_scoped3A : memref<!tpu.dma_semaphore, #tpu.memory_space<semaphore_mem>>) src(%dma_wait3A_44 : memref<42x120xi32, #tpu.memory_space<hbm>>) dst(%arg8 : memref<42x120xi32, #tpu.memory_space<vmem>>)
        tpu.yield
      }) : () -> ()
      %dma_start3A = arith.constant 0 : i32
      %dma_start3A_9 = arith.constant 0 : i32
      %dma_start3A_10 = tpu.memref_slice %arg7[%dma_start3A, %dma_start3A_9] : memref<42x120xi32, #tpu.memory_space<vmem>> -> memref<1x120xi32, #tpu.memory_space<vmem>>
      %dma_start3A_11 = tpu.memref_squeeze %dma_start3A_10 : memref<1x120xi32, #tpu.memory_space<vmem>> -> memref<120xi32, #tpu.memory_space<vmem>>
      %dma_start3A_12 = arith.constant 0 : i32
      %dma_start3A_13 = arith.constant 0 : i32
      %dma_start3A_14 = tpu.memref_slice %arg2[%dma_start3A_12, %dma_start3A_13] : memref<10000x128xf32, #tpu.memory_space<hbm>> -> memref<10000x128xf32, #tpu.memory_space<hbm>>
      tpu.enqueue_indirect_dma source(%dma_start3A_14 : memref<10000x128xf32, #tpu.memory_space<hbm>>) target(%arg9 : memref<120x128xf32, #tpu.memory_space<vmem>>) offsets(%dma_start3A_11 : memref<120xi32, #tpu.memory_space<vmem>>) semaphore(%arg12 : memref<!tpu.dma_semaphore, #tpu.memory_space<semaphore_mem>>)
      %dma_start3A_15 = arith.constant 1 : i32
      %dma_start3A_16 = arith.constant 0 : i32
      %dma_start3A_17 = tpu.memref_slice %arg7[%dma_start3A_15, %dma_start3A_16] : memref<42x120xi32, #tpu.memory_space<vmem>> -> memref<1x120xi32, #tpu.memory_space<vmem>>
      %dma_start3A_18 = tpu.memref_squeeze %dma_start3A_17 : memref<1x120xi32, #tpu.memory_space<vmem>> -> memref<120xi32, #tpu.memory_space<vmem>>
      %dma_start3A_19 = arith.constant 0 : i32
      %dma_start3A_20 = arith.constant 0 : i32
      %dma_start3A_21 = tpu.memref_slice %arg2[%dma_start3A_19, %dma_start3A_20] : memref<10000x128xf32, #tpu.memory_space<hbm>> -> memref<10000x128xf32, #tpu.memory_space<hbm>>
      tpu.enqueue_indirect_dma source(%dma_start3A_21 : memref<10000x128xf32, #tpu.memory_space<hbm>>) target(%arg10 : memref<120x128xf32, #tpu.memory_space<vmem>>) offsets(%dma_start3A_18 : memref<120xi32, #tpu.memory_space<vmem>>) semaphore(%arg13 : memref<!tpu.dma_semaphore, #tpu.memory_space<semaphore_mem>>)
      %eq3A = arith.constant 0 : i32
      %eq3A_22 = arith.cmpi eq, %scan3A_8, %eq3A : i32
      %convert_element_type3A = arith.extui %eq3A_22 : i1 to i32
      %cond3A = arith.constant 0 : i32
      %cond3A_23 = arith.cmpi ne, %convert_element_type3A, %cond3A : i32
      scf.if %cond3A_23 {
        "tpu.region"() ({
          %run_scoped3A = tpu.sem_alloc : memref<!tpu.dma_semaphore, #tpu.memory_space<semaphore_mem>>
          %dma_start3A_31 = arith.constant 0 : i32
          %dma_start3A_32 = tpu.memref_slice %arg11[%mul3A_2, %dma_start3A_31] : memref<10240x128xf32, #tpu.memory_space<vmem_shared>> -> memref<640x128xf32, #tpu.memory_space<vmem_shared>>
          %dma_start3A_33 = arith.constant 0 : i32
          %dma_start3A_34 = tpu.memref_slice %arg5[%mul3A_2, %dma_start3A_33] : memref<10240x128xf32, #tpu.memory_space<hbm>> -> memref<640x128xf32, #tpu.memory_space<hbm>>
          tpu.enqueue_dma source(%dma_start3A_34 : memref<640x128xf32, #tpu.memory_space<hbm>>) target(%dma_start3A_32 : memref<640x128xf32, #tpu.memory_space<vmem_shared>>) target_semaphore(%run_scoped3A : memref<!tpu.dma_semaphore, #tpu.memory_space<semaphore_mem>>)
          %dma_wait3A = arith.constant 0 : i32
          %dma_wait3A_35 = tpu.memref_slice %arg11[%mul3A_2, %dma_wait3A] : memref<10240x128xf32, #tpu.memory_space<vmem_shared>> -> memref<640x128xf32, #tpu.memory_space<vmem_shared>>
          %dma_wait3A_36 = arith.constant 0 : i32
          %dma_wait3A_37 = tpu.memref_slice %arg5[%mul3A_2, %dma_wait3A_36] : memref<10240x128xf32, #tpu.memory_space<hbm>> -> memref<640x128xf32, #tpu.memory_space<hbm>>
          tpu.wait_dma2 semaphore(%run_scoped3A : memref<!tpu.dma_semaphore, #tpu.memory_space<semaphore_mem>>) src(%dma_wait3A_37 : memref<640x128xf32, #tpu.memory_space<hbm>>) dst(%dma_wait3A_35 : memref<640x128xf32, #tpu.memory_space<vmem_shared>>)
          tpu.yield
        }) : () -> ()
        %barrier3A_30 = arith.constant 0 : index
        tpu.barrier barrier_id(%barrier3A_30)
      } else {
      }
      %scan3A_24 = arith.constant 0 : i32
      %scan3A_25 = arith.constant 0 : i32
      %scan3A_26 = arith.constant 21 : i32
      %scan3A_27 = arith.addi %scan3A_25, %scan3A_26 : i32
      %scan3A_28 = arith.constant 1 : i32
      scf.for %scan3A_30 = %scan3A_25 to %scan3A_27 step %scan3A_28  : i32 {
        %mul3A_31 = arith.constant 2 : i32
        %mul3A_32 = arith.muli %mul3A_31, %scan3A_30 : i32
        %add3A_33 = arith.constant 0 : i32
        %add3A_34 = arith.addi %mul3A_32, %add3A_33 : i32
        %dma_wait3A = arith.constant 0 : i32
        %dma_wait3A_35 = tpu.memref_slice %arg7[%add3A_34, %dma_wait3A] : memref<42x120xi32, #tpu.memory_space<vmem>> -> memref<1x120xi32, #tpu.memory_space<vmem>>
        %dma_wait3A_36 = tpu.memref_squeeze %dma_wait3A_35 : memref<1x120xi32, #tpu.memory_space<vmem>> -> memref<120xi32, #tpu.memory_space<vmem>>
        %dma_wait3A_37 = arith.constant 0 : i32
        %dma_wait3A_38 = arith.constant 0 : i32
        %dma_wait3A_39 = tpu.memref_slice %arg2[%dma_wait3A_37, %dma_wait3A_38] : memref<10000x128xf32, #tpu.memory_space<hbm>> -> memref<10000x128xf32, #tpu.memory_space<hbm>>
        tpu.wait_indirect_dma semaphore(%arg12 : memref<!tpu.dma_semaphore, #tpu.memory_space<semaphore_mem>>) src(%dma_wait3A_39 : memref<10000x128xf32, #tpu.memory_space<hbm>>) dst(%arg9 : memref<120x128xf32, #tpu.memory_space<vmem>>)
        "tpu.region"() ({
          %run_scoped3A = tpu.sem_alloc : memref<!tpu.dma_semaphore, #tpu.memory_space<semaphore_mem>>
          %dma_start3A_63 = arith.constant 0 : i32
          %dma_start3A_64 = tpu.memref_slice %arg8[%add3A_34, %dma_start3A_63] : memref<42x120xi32, #tpu.memory_space<vmem>> -> memref<1x120xi32, #tpu.memory_space<vmem>>
          %dma_start3A_65 = tpu.memref_squeeze %dma_start3A_64 : memref<1x120xi32, #tpu.memory_space<vmem>> -> memref<120xi32, #tpu.memory_space<vmem>>
          %dma_start3A_66 = arith.constant 0 : i32
          %dma_start3A_67 = arith.constant 0 : i32
          %dma_start3A_68 = tpu.memref_slice %arg11[%dma_start3A_66, %dma_start3A_67] : memref<10240x128xf32, #tpu.memory_space<vmem_shared>> -> memref<10240x128xf32, #tpu.memory_space<vmem_shared>>
          tpu.enqueue_indirect_dma source(%arg9 : memref<120x128xf32, #tpu.memory_space<vmem>>) target(%dma_start3A_68 : memref<10240x128xf32, #tpu.memory_space<vmem_shared>>) offsets(%dma_start3A_65 : memref<120xi32, #tpu.memory_space<vmem>>) semaphore(%run_scoped3A : memref<!tpu.dma_semaphore, #tpu.memory_space<semaphore_mem>>) {add = true}
          %dma_wait3A_69 = arith.constant 0 : i32
          %dma_wait3A_70 = tpu.memref_slice %arg8[%add3A_34, %dma_wait3A_69] : memref<42x120xi32, #tpu.memory_space<vmem>> -> memref<1x120xi32, #tpu.memory_space<vmem>>
          %dma_wait3A_71 = tpu.memref_squeeze %dma_wait3A_70 : memref<1x120xi32, #tpu.memory_space<vmem>> -> memref<120xi32, #tpu.memory_space<vmem>>
          %dma_wait3A_72 = arith.constant 0 : i32
          %dma_wait3A_73 = arith.constant 0 : i32
          %dma_wait3A_74 = tpu.memref_slice %arg11[%dma_wait3A_72, %dma_wait3A_73] : memref<10240x128xf32, #tpu.memory_space<vmem_shared>> -> memref<10240x128xf32, #tpu.memory_space<vmem_shared>>
          tpu.wait_indirect_dma semaphore(%run_scoped3A : memref<!tpu.dma_semaphore, #tpu.memory_space<semaphore_mem>>) src(%arg9 : memref<120x128xf32, #tpu.memory_space<vmem>>) dst(%dma_wait3A_74 : memref<10240x128xf32, #tpu.memory_space<vmem_shared>>)
          tpu.yield
        }) : () -> ()
        %add3A_40 = arith.constant 2 : i32
        %add3A_41 = arith.addi %add3A_34, %add3A_40 : i32
        %lt3A = arith.constant 42 : i32
        %lt3A_42 = arith.cmpi slt, %add3A_41, %lt3A : i32
        %convert_element_type3A_43 = arith.extui %lt3A_42 : i1 to i32
        %cond3A_44 = arith.constant 0 : i32
        %cond3A_45 = arith.cmpi ne, %convert_element_type3A_43, %cond3A_44 : i32
        scf.if %cond3A_45 {
          %add3A_63 = arith.constant 2 : i32
          %add3A_64 = arith.addi %add3A_34, %add3A_63 : i32
          %dma_start3A_65 = arith.constant 0 : i32
          %dma_start3A_66 = tpu.memref_slice %arg7[%add3A_64, %dma_start3A_65] : memref<42x120xi32, #tpu.memory_space<vmem>> -> memref<1x120xi32, #tpu.memory_space<vmem>>
          %dma_start3A_67 = tpu.memref_squeeze %dma_start3A_66 : memref<1x120xi32, #tpu.memory_space<vmem>> -> memref<120xi32, #tpu.memory_space<vmem>>
          %dma_start3A_68 = arith.constant 0 : i32
          %dma_start3A_69 = arith.constant 0 : i32
          %dma_start3A_70 = tpu.memref_slice %arg2[%dma_start3A_68, %dma_start3A_69] : memref<10000x128xf32, #tpu.memory_space<hbm>> -> memref<10000x128xf32, #tpu.memory_space<hbm>>
          tpu.enqueue_indirect_dma source(%dma_start3A_70 : memref<10000x128xf32, #tpu.memory_space<hbm>>) target(%arg9 : memref<120x128xf32, #tpu.memory_space<vmem>>) offsets(%dma_start3A_67 : memref<120xi32, #tpu.memory_space<vmem>>) semaphore(%arg12 : memref<!tpu.dma_semaphore, #tpu.memory_space<semaphore_mem>>)
        } else {
        }
        %mul3A_46 = arith.constant 2 : i32
        %mul3A_47 = arith.muli %mul3A_46, %scan3A_30 : i32
        %add3A_48 = arith.constant 1 : i32
        %add3A_49 = arith.addi %mul3A_47, %add3A_48 : i32
        %dma_wait3A_50 = arith.constant 0 : i32
        %dma_wait3A_51 = tpu.memref_slice %arg7[%add3A_49, %dma_wait3A_50] : memref<42x120xi32, #tpu.memory_space<vmem>> -> memref<1x120xi32, #tpu.memory_space<vmem>>
        %dma_wait3A_52 = tpu.memref_squeeze %dma_wait3A_51 : memref<1x120xi32, #tpu.memory_space<vmem>> -> memref<120xi32, #tpu.memory_space<vmem>>
        %dma_wait3A_53 = arith.constant 0 : i32
        %dma_wait3A_54 = arith.constant 0 : i32
        %dma_wait3A_55 = tpu.memref_slice %arg2[%dma_wait3A_53, %dma_wait3A_54] : memref<10000x128xf32, #tpu.memory_space<hbm>> -> memref<10000x128xf32, #tpu.memory_space<hbm>>
        tpu.wait_indirect_dma semaphore(%arg13 : memref<!tpu.dma_semaphore, #tpu.memory_space<semaphore_mem>>) src(%dma_wait3A_55 : memref<10000x128xf32, #tpu.memory_space<hbm>>) dst(%arg10 : memref<120x128xf32, #tpu.memory_space<vmem>>)
        "tpu.region"() ({
          %run_scoped3A = tpu.sem_alloc : memref<!tpu.dma_semaphore, #tpu.memory_space<semaphore_mem>>
          %dma_start3A_63 = arith.constant 0 : i32
          %dma_start3A_64 = tpu.memref_slice %arg8[%add3A_49, %dma_start3A_63] : memref<42x120xi32, #tpu.memory_space<vmem>> -> memref<1x120xi32, #tpu.memory_space<vmem>>
          %dma_start3A_65 = tpu.memref_squeeze %dma_start3A_64 : memref<1x120xi32, #tpu.memory_space<vmem>> -> memref<120xi32, #tpu.memory_space<vmem>>
          %dma_start3A_66 = arith.constant 0 : i32
          %dma_start3A_67 = arith.constant 0 : i32
          %dma_start3A_68 = tpu.memref_slice %arg11[%dma_start3A_66, %dma_start3A_67] : memref<10240x128xf32, #tpu.memory_space<vmem_shared>> -> memref<10240x128xf32, #tpu.memory_space<vmem_shared>>
          tpu.enqueue_indirect_dma source(%arg10 : memref<120x128xf32, #tpu.memory_space<vmem>>) target(%dma_start3A_68 : memref<10240x128xf32, #tpu.memory_space<vmem_shared>>) offsets(%dma_start3A_65 : memref<120xi32, #tpu.memory_space<vmem>>) semaphore(%run_scoped3A : memref<!tpu.dma_semaphore, #tpu.memory_space<semaphore_mem>>) {add = true}
          %dma_wait3A_69 = arith.constant 0 : i32
          %dma_wait3A_70 = tpu.memref_slice %arg8[%add3A_49, %dma_wait3A_69] : memref<42x120xi32, #tpu.memory_space<vmem>> -> memref<1x120xi32, #tpu.memory_space<vmem>>
          %dma_wait3A_71 = tpu.memref_squeeze %dma_wait3A_70 : memref<1x120xi32, #tpu.memory_space<vmem>> -> memref<120xi32, #tpu.memory_space<vmem>>
          %dma_wait3A_72 = arith.constant 0 : i32
          %dma_wait3A_73 = arith.constant 0 : i32
          %dma_wait3A_74 = tpu.memref_slice %arg11[%dma_wait3A_72, %dma_wait3A_73] : memref<10240x128xf32, #tpu.memory_space<vmem_shared>> -> memref<10240x128xf32, #tpu.memory_space<vmem_shared>>
          tpu.wait_indirect_dma semaphore(%run_scoped3A : memref<!tpu.dma_semaphore, #tpu.memory_space<semaphore_mem>>) src(%arg10 : memref<120x128xf32, #tpu.memory_space<vmem>>) dst(%dma_wait3A_74 : memref<10240x128xf32, #tpu.memory_space<vmem_shared>>)
          tpu.yield
        }) : () -> ()
        %add3A_56 = arith.constant 2 : i32
        %add3A_57 = arith.addi %add3A_49, %add3A_56 : i32
        %lt3A_58 = arith.constant 42 : i32
        %lt3A_59 = arith.cmpi slt, %add3A_57, %lt3A_58 : i32
        %convert_element_type3A_60 = arith.extui %lt3A_59 : i1 to i32
        %cond3A_61 = arith.constant 0 : i32
        %cond3A_62 = arith.cmpi ne, %convert_element_type3A_60, %cond3A_61 : i32
        scf.if %cond3A_62 {
          %add3A_63 = arith.constant 2 : i32
          %add3A_64 = arith.addi %add3A_49, %add3A_63 : i32
          %dma_start3A_65 = arith.constant 0 : i32
          %dma_start3A_66 = tpu.memref_slice %arg7[%add3A_64, %dma_start3A_65] : memref<42x120xi32, #tpu.memory_space<vmem>> -> memref<1x120xi32, #tpu.memory_space<vmem>>
          %dma_start3A_67 = tpu.memref_squeeze %dma_start3A_66 : memref<1x120xi32, #tpu.memory_space<vmem>> -> memref<120xi32, #tpu.memory_space<vmem>>
          %dma_start3A_68 = arith.constant 0 : i32
          %dma_start3A_69 = arith.constant 0 : i32
          %dma_start3A_70 = tpu.memref_slice %arg2[%dma_start3A_68, %dma_start3A_69] : memref<10000x128xf32, #tpu.memory_space<hbm>> -> memref<10000x128xf32, #tpu.memory_space<hbm>>
          tpu.enqueue_indirect_dma source(%dma_start3A_70 : memref<10000x128xf32, #tpu.memory_space<hbm>>) target(%arg10 : memref<120x128xf32, #tpu.memory_space<vmem>>) offsets(%dma_start3A_67 : memref<120xi32, #tpu.memory_space<vmem>>) semaphore(%arg13 : memref<!tpu.dma_semaphore, #tpu.memory_space<semaphore_mem>>)
        } else {
        }
      }
      %scan3A_29 = arith.constant 21 : i32
    }
    %scan3A_7 = arith.constant 2 : i32
    %barrier3A = arith.constant 0 : index
    tpu.barrier barrier_id(%barrier3A)
    "tpu.region"() ({
      %run_scoped3A = tpu.sem_alloc : memref<!tpu.dma_semaphore, #tpu.memory_space<semaphore_mem>>
      %dma_start3A = arith.constant 0 : i32
      %dma_start3A_8 = tpu.memref_slice %arg6[%arg0, %mul3A_2, %dma_start3A] : memref<2x10240x128xf32, #tpu.memory_space<hbm>> -> memref<1x640x128xf32, #tpu.memory_space<hbm>>
      %dma_start3A_9 = tpu.memref_squeeze %dma_start3A_8 : memref<1x640x128xf32, #tpu.memory_space<hbm>> -> memref<640x128xf32, #tpu.memory_space<hbm>>
      %dma_start3A_10 = arith.constant 0 : i32
      %dma_start3A_11 = tpu.memref_slice %arg11[%mul3A_2, %dma_start3A_10] : memref<10240x128xf32, #tpu.memory_space<vmem_shared>> -> memref<640x128xf32, #tpu.memory_space<vmem_shared>>
      tpu.enqueue_dma source(%dma_start3A_11 : memref<640x128xf32, #tpu.memory_space<vmem_shared>>) target(%dma_start3A_9 : memref<640x128xf32, #tpu.memory_space<hbm>>) target_semaphore(%run_scoped3A : memref<!tpu.dma_semaphore, #tpu.memory_space<semaphore_mem>>)
      %dma_wait3A = arith.constant 0 : i32
      %dma_wait3A_12 = tpu.memref_slice %arg6[%arg0, %mul3A_2, %dma_wait3A] : memref<2x10240x128xf32, #tpu.memory_space<hbm>> -> memref<1x640x128xf32, #tpu.memory_space<hbm>>
      %dma_wait3A_13 = tpu.memref_squeeze %dma_wait3A_12 : memref<1x640x128xf32, #tpu.memory_space<hbm>> -> memref<640x128xf32, #tpu.memory_space<hbm>>
      %dma_wait3A_14 = arith.constant 0 : i32
      %dma_wait3A_15 = tpu.memref_slice %arg11[%mul3A_2, %dma_wait3A_14] : memref<10240x128xf32, #tpu.memory_space<vmem_shared>> -> memref<640x128xf32, #tpu.memory_space<vmem_shared>>
      tpu.wait_dma2 semaphore(%run_scoped3A : memref<!tpu.dma_semaphore, #tpu.memory_space<semaphore_mem>>) src(%dma_wait3A_15 : memref<640x128xf32, #tpu.memory_space<vmem_shared>>) dst(%dma_wait3A_13 : memref<640x128xf32, #tpu.memory_space<hbm>>)
      tpu.yield
    }) : () -> ()
    return
  }
}

#map = affine_map<(d0, d1) -> (0, 0)>
#map1 = affine_map<(d0, d1) -> (0, 0, 0, 0)>
#map2 = affine_map<(d0, d1) -> (0, 0, 0)>
module attributes {stable_mosaic.version = 14 : i64} {
  func.func @seg_sum(%arg0: i32, %arg1: i32, %arg2: memref<10000x128xf32, #tpu.memory_space<hbm>>, %arg3: memref<32x2x42x120xi32, #tpu.memory_space<hbm>>, %arg4: memref<32x2x42x120xi32, #tpu.memory_space<hbm>>, %arg5: memref<10240x128xf32, #tpu.memory_space<hbm>>, %arg6: memref<2x10240x128xf32, #tpu.memory_space<hbm>>, %arg7: memref<42x120xi32, #tpu.memory_space<vmem>>, %arg8: memref<42x120xi32, #tpu.memory_space<vmem>>, %arg9: memref<120x128xf32, #tpu.memory_space<vmem>>, %arg10: memref<120x128xf32, #tpu.memory_space<vmem>>, %arg11: memref<10240x128xf32, #tpu.memory_space<vmem_shared>>, %arg12: memref<!tpu.dma_semaphore, #tpu.memory_space<semaphore_mem>>, %arg13: memref<!tpu.dma_semaphore, #tpu.memory_space<semaphore_mem>>) attributes {dimension_semantics = [#tpu.dimension_semantics<core_parallel>, #tpu.dimension_semantics<subcore_parallel>], iteration_bounds = array<i64: 2, 16>, scalar_prefetch = 0 : i64, scratch_operands = 7 : i64, tpu.core_type = #tpu.core_type<sc_vector_subcore>, window_params = [{transform_indices = #map}, {transform_indices = #map1}, {transform_indices = #map1}, {transform_indices = #map}, {transform_indices = #map2}]} {
    %mul3A = arith.constant 2 : i32
    %mul3A_0 = arith.muli %arg1, %mul3A : i32
    %add3A = arith.addi %mul3A_0, %arg0 : i32
    %mul3A_1 = arith.constant 640 : i32
    %mul3A_2 = arith.muli %arg1, %mul3A_1 : i32
    %scan3A = arith.constant 0 : i32
    %scan3A_3 = arith.constant 0 : i32
    %scan3A_4 = arith.constant 2 : i32
    %scan3A_5 = arith.addi %scan3A_3, %scan3A_4 : i32
    %scan3A_6 = arith.constant 1 : i32
    scf.for %scan3A_8 = %scan3A_3 to %scan3A_5 step %scan3A_6  : i32 {
      "tpu.region"() ({
        %run_scoped3A = tpu.sem_alloc : memref<!tpu.dma_semaphore, #tpu.memory_space<semaphore_mem>>
        %dma_start3A_30 = arith.constant 0 : i32
        %dma_start3A_31 = arith.constant 0 : i32
        %dma_start3A_32 = tpu.memref_slice %arg3[%add3A, %scan3A_8, %dma_start3A_30, %dma_start3A_31] : memref<32x2x42x120xi32, #tpu.memory_space<hbm>> -> memref<1x1x42x120xi32, #tpu.memory_space<hbm>>
        %dma_start3A_33 = tpu.memref_squeeze %dma_start3A_32 : memref<1x1x42x120xi32, #tpu.memory_space<hbm>> -> memref<42x120xi32, #tpu.memory_space<hbm>>
        %dma_start3A_34 = arith.constant 0 : i32
        %dma_start3A_35 = arith.constant 0 : i32
        %dma_start3A_36 = tpu.memref_slice %arg3[%add3A, %scan3A_8, %dma_start3A_34, %dma_start3A_35] : memref<32x2x42x120xi32, #tpu.memory_space<hbm>> -> memref<1x1x42x120xi32, #tpu.memory_space<hbm>>
        %dma_start3A_37 = tpu.memref_squeeze %dma_start3A_36 : memref<1x1x42x120xi32, #tpu.memory_space<hbm>> -> memref<42x120xi32, #tpu.memory_space<hbm>>
        tpu.enqueue_dma source(%dma_start3A_37 : memref<42x120xi32, #tpu.memory_space<hbm>>) target(%arg7 : memref<42x120xi32, #tpu.memory_space<vmem>>) target_semaphore(%run_scoped3A : memref<!tpu.dma_semaphore, #tpu.memory_space<semaphore_mem>>)
        %dma_wait3A = arith.constant 0 : i32
        %dma_wait3A_38 = arith.constant 0 : i32
        %dma_wait3A_39 = tpu.memref_slice %arg3[%add3A, %scan3A_8, %dma_wait3A, %dma_wait3A_38] : memref<32x2x42x120xi32, #tpu.memory_space<hbm>> -> memref<1x1x42x120xi32, #tpu.memory_space<hbm>>
        %dma_wait3A_40 = tpu.memref_squeeze %dma_wait3A_39 : memref<1x1x42x120xi32, #tpu.memory_space<hbm>> -> memref<42x120xi32, #tpu.memory_space<hbm>>
        %dma_wait3A_41 = arith.constant 0 : i32
        %dma_wait3A_42 = arith.constant 0 : i32
        %dma_wait3A_43 = tpu.memref_slice %arg3[%add3A, %scan3A_8, %dma_wait3A_41, %dma_wait3A_42] : memref<32x2x42x120xi32, #tpu.memory_space<hbm>> -> memref<1x1x42x120xi32, #tpu.memory_space<hbm>>
        %dma_wait3A_44 = tpu.memref_squeeze %dma_wait3A_43 : memref<1x1x42x120xi32, #tpu.memory_space<hbm>> -> memref<42x120xi32, #tpu.memory_space<hbm>>
        tpu.wait_dma2 semaphore(%run_scoped3A : memref<!tpu.dma_semaphore, #tpu.memory_space<semaphore_mem>>) src(%dma_wait3A_44 : memref<42x120xi32, #tpu.memory_space<hbm>>) dst(%arg7 : memref<42x120xi32, #tpu.memory_space<vmem>>)
        tpu.yield
      }) : () -> ()
      "tpu.region"() ({
        %run_scoped3A = tpu.sem_alloc : memref<!tpu.dma_semaphore, #tpu.memory_space<semaphore_mem>>
        %dma_start3A_30 = arith.constant 0 : i32
        %dma_start3A_31 = arith.constant 0 : i32
        %dma_start3A_32 = tpu.memref_slice %arg4[%add3A, %scan3A_8, %dma_start3A_30, %dma_start3A_31] : memref<32x2x42x120xi32, #tpu.memory_space<hbm>> -> memref<1x1x42x120xi32, #tpu.memory_space<hbm>>
        %dma_start3A_33 = tpu.memref_squeeze %dma_start3A_32 : memref<1x1x42x120xi32, #tpu.memory_space<hbm>> -> memref<42x120xi32, #tpu.memory_space<hbm>>
        %dma_start3A_34 = arith.constant 0 : i32
        %dma_start3A_35 = arith.constant 0 : i32
        %dma_start3A_36 = tpu.memref_slice %arg4[%add3A, %scan3A_8, %dma_start3A_34, %dma_start3A_35] : memref<32x2x42x120xi32, #tpu.memory_space<hbm>> -> memref<1x1x42x120xi32, #tpu.memory_space<hbm>>
        %dma_start3A_37 = tpu.memref_squeeze %dma_start3A_36 : memref<1x1x42x120xi32, #tpu.memory_space<hbm>> -> memref<42x120xi32, #tpu.memory_space<hbm>>
        tpu.enqueue_dma source(%dma_start3A_37 : memref<42x120xi32, #tpu.memory_space<hbm>>) target(%arg8 : memref<42x120xi32, #tpu.memory_space<vmem>>) target_semaphore(%run_scoped3A : memref<!tpu.dma_semaphore, #tpu.memory_space<semaphore_mem>>)
        %dma_wait3A = arith.constant 0 : i32
        %dma_wait3A_38 = arith.constant 0 : i32
        %dma_wait3A_39 = tpu.memref_slice %arg4[%add3A, %scan3A_8, %dma_wait3A, %dma_wait3A_38] : memref<32x2x42x120xi32, #tpu.memory_space<hbm>> -> memref<1x1x42x120xi32, #tpu.memory_space<hbm>>
        %dma_wait3A_40 = tpu.memref_squeeze %dma_wait3A_39 : memref<1x1x42x120xi32, #tpu.memory_space<hbm>> -> memref<42x120xi32, #tpu.memory_space<hbm>>
        %dma_wait3A_41 = arith.constant 0 : i32
        %dma_wait3A_42 = arith.constant 0 : i32
        %dma_wait3A_43 = tpu.memref_slice %arg4[%add3A, %scan3A_8, %dma_wait3A_41, %dma_wait3A_42] : memref<32x2x42x120xi32, #tpu.memory_space<hbm>> -> memref<1x1x42x120xi32, #tpu.memory_space<hbm>>
        %dma_wait3A_44 = tpu.memref_squeeze %dma_wait3A_43 : memref<1x1x42x120xi32, #tpu.memory_space<hbm>> -> memref<42x120xi32, #tpu.memory_space<hbm>>
        tpu.wait_dma2 semaphore(%run_scoped3A : memref<!tpu.dma_semaphore, #tpu.memory_space<semaphore_mem>>) src(%dma_wait3A_44 : memref<42x120xi32, #tpu.memory_space<hbm>>) dst(%arg8 : memref<42x120xi32, #tpu.memory_space<vmem>>)
        tpu.yield
      }) : () -> ()
      %dma_start3A = arith.constant 0 : i32
      %dma_start3A_9 = arith.constant 0 : i32
      %dma_start3A_10 = tpu.memref_slice %arg7[%dma_start3A, %dma_start3A_9] : memref<42x120xi32, #tpu.memory_space<vmem>> -> memref<1x120xi32, #tpu.memory_space<vmem>>
      %dma_start3A_11 = tpu.memref_squeeze %dma_start3A_10 : memref<1x120xi32, #tpu.memory_space<vmem>> -> memref<120xi32, #tpu.memory_space<vmem>>
      %dma_start3A_12 = arith.constant 0 : i32
      %dma_start3A_13 = arith.constant 0 : i32
      %dma_start3A_14 = tpu.memref_slice %arg2[%dma_start3A_12, %dma_start3A_13] : memref<10000x128xf32, #tpu.memory_space<hbm>> -> memref<10000x128xf32, #tpu.memory_space<hbm>>
      tpu.enqueue_indirect_dma source(%dma_start3A_14 : memref<10000x128xf32, #tpu.memory_space<hbm>>) target(%arg9 : memref<120x128xf32, #tpu.memory_space<vmem>>) offsets(%dma_start3A_11 : memref<120xi32, #tpu.memory_space<vmem>>) semaphore(%arg12 : memref<!tpu.dma_semaphore, #tpu.memory_space<semaphore_mem>>)
      %dma_start3A_15 = arith.constant 1 : i32
      %dma_start3A_16 = arith.constant 0 : i32
      %dma_start3A_17 = tpu.memref_slice %arg7[%dma_start3A_15, %dma_start3A_16] : memref<42x120xi32, #tpu.memory_space<vmem>> -> memref<1x120xi32, #tpu.memory_space<vmem>>
      %dma_start3A_18 = tpu.memref_squeeze %dma_start3A_17 : memref<1x120xi32, #tpu.memory_space<vmem>> -> memref<120xi32, #tpu.memory_space<vmem>>
      %dma_start3A_19 = arith.constant 0 : i32
      %dma_start3A_20 = arith.constant 0 : i32
      %dma_start3A_21 = tpu.memref_slice %arg2[%dma_start3A_19, %dma_start3A_20] : memref<10000x128xf32, #tpu.memory_space<hbm>> -> memref<10000x128xf32, #tpu.memory_space<hbm>>
      tpu.enqueue_indirect_dma source(%dma_start3A_21 : memref<10000x128xf32, #tpu.memory_space<hbm>>) target(%arg10 : memref<120x128xf32, #tpu.memory_space<vmem>>) offsets(%dma_start3A_18 : memref<120xi32, #tpu.memory_space<vmem>>) semaphore(%arg13 : memref<!tpu.dma_semaphore, #tpu.memory_space<semaphore_mem>>)
      %eq3A = arith.constant 0 : i32
      %eq3A_22 = arith.cmpi eq, %scan3A_8, %eq3A : i32
      %convert_element_type3A = arith.extui %eq3A_22 : i1 to i32
      %cond3A = arith.constant 0 : i32
      %cond3A_23 = arith.cmpi ne, %convert_element_type3A, %cond3A : i32
      scf.if %cond3A_23 {
        "tpu.region"() ({
          %run_scoped3A = tpu.sem_alloc : memref<!tpu.dma_semaphore, #tpu.memory_space<semaphore_mem>>
          %dma_start3A_31 = arith.constant 0 : i32
          %dma_start3A_32 = tpu.memref_slice %arg11[%mul3A_2, %dma_start3A_31] : memref<10240x128xf32, #tpu.memory_space<vmem_shared>> -> memref<640x128xf32, #tpu.memory_space<vmem_shared>>
          %dma_start3A_33 = arith.constant 0 : i32
          %dma_start3A_34 = tpu.memref_slice %arg5[%mul3A_2, %dma_start3A_33] : memref<10240x128xf32, #tpu.memory_space<hbm>> -> memref<640x128xf32, #tpu.memory_space<hbm>>
          tpu.enqueue_dma source(%dma_start3A_34 : memref<640x128xf32, #tpu.memory_space<hbm>>) target(%dma_start3A_32 : memref<640x128xf32, #tpu.memory_space<vmem_shared>>) target_semaphore(%run_scoped3A : memref<!tpu.dma_semaphore, #tpu.memory_space<semaphore_mem>>)
          %dma_wait3A = arith.constant 0 : i32
          %dma_wait3A_35 = tpu.memref_slice %arg11[%mul3A_2, %dma_wait3A] : memref<10240x128xf32, #tpu.memory_space<vmem_shared>> -> memref<640x128xf32, #tpu.memory_space<vmem_shared>>
          %dma_wait3A_36 = arith.constant 0 : i32
          %dma_wait3A_37 = tpu.memref_slice %arg5[%mul3A_2, %dma_wait3A_36] : memref<10240x128xf32, #tpu.memory_space<hbm>> -> memref<640x128xf32, #tpu.memory_space<hbm>>
          tpu.wait_dma2 semaphore(%run_scoped3A : memref<!tpu.dma_semaphore, #tpu.memory_space<semaphore_mem>>) src(%dma_wait3A_37 : memref<640x128xf32, #tpu.memory_space<hbm>>) dst(%dma_wait3A_35 : memref<640x128xf32, #tpu.memory_space<vmem_shared>>)
          tpu.yield
        }) : () -> ()
        %barrier3A_30 = arith.constant 0 : index
        tpu.barrier barrier_id(%barrier3A_30)
      } else {
      }
      %scan3A_24 = arith.constant 0 : i32
      %scan3A_25 = arith.constant 0 : i32
      %scan3A_26 = arith.constant 21 : i32
      %scan3A_27 = arith.addi %scan3A_25, %scan3A_26 : i32
      %scan3A_28 = arith.constant 1 : i32
      scf.for %scan3A_30 = %scan3A_25 to %scan3A_27 step %scan3A_28  : i32 {
        %mul3A_31 = arith.constant 2 : i32
        %mul3A_32 = arith.muli %mul3A_31, %scan3A_30 : i32
        %add3A_33 = arith.constant 0 : i32
        %add3A_34 = arith.addi %mul3A_32, %add3A_33 : i32
        %dma_wait3A = arith.constant 0 : i32
        %dma_wait3A_35 = tpu.memref_slice %arg7[%add3A_34, %dma_wait3A] : memref<42x120xi32, #tpu.memory_space<vmem>> -> memref<1x120xi32, #tpu.memory_space<vmem>>
        %dma_wait3A_36 = tpu.memref_squeeze %dma_wait3A_35 : memref<1x120xi32, #tpu.memory_space<vmem>> -> memref<120xi32, #tpu.memory_space<vmem>>
        %dma_wait3A_37 = arith.constant 0 : i32
        %dma_wait3A_38 = arith.constant 0 : i32
        %dma_wait3A_39 = tpu.memref_slice %arg2[%dma_wait3A_37, %dma_wait3A_38] : memref<10000x128xf32, #tpu.memory_space<hbm>> -> memref<10000x128xf32, #tpu.memory_space<hbm>>
        tpu.wait_indirect_dma semaphore(%arg12 : memref<!tpu.dma_semaphore, #tpu.memory_space<semaphore_mem>>) src(%dma_wait3A_39 : memref<10000x128xf32, #tpu.memory_space<hbm>>) dst(%arg9 : memref<120x128xf32, #tpu.memory_space<vmem>>)
        "tpu.region"() ({
          %run_scoped3A = tpu.sem_alloc : memref<!tpu.dma_semaphore, #tpu.memory_space<semaphore_mem>>
          %dma_start3A_63 = arith.constant 0 : i32
          %dma_start3A_64 = tpu.memref_slice %arg8[%add3A_34, %dma_start3A_63] : memref<42x120xi32, #tpu.memory_space<vmem>> -> memref<1x120xi32, #tpu.memory_space<vmem>>
          %dma_start3A_65 = tpu.memref_squeeze %dma_start3A_64 : memref<1x120xi32, #tpu.memory_space<vmem>> -> memref<120xi32, #tpu.memory_space<vmem>>
          %dma_start3A_66 = arith.constant 0 : i32
          %dma_start3A_67 = arith.constant 0 : i32
          %dma_start3A_68 = tpu.memref_slice %arg11[%dma_start3A_66, %dma_start3A_67] : memref<10240x128xf32, #tpu.memory_space<vmem_shared>> -> memref<10240x128xf32, #tpu.memory_space<vmem_shared>>
          tpu.enqueue_indirect_dma source(%arg9 : memref<120x128xf32, #tpu.memory_space<vmem>>) target(%dma_start3A_68 : memref<10240x128xf32, #tpu.memory_space<vmem_shared>>) offsets(%dma_start3A_65 : memref<120xi32, #tpu.memory_space<vmem>>) semaphore(%run_scoped3A : memref<!tpu.dma_semaphore, #tpu.memory_space<semaphore_mem>>) {add = true}
          %dma_wait3A_69 = arith.constant 0 : i32
          %dma_wait3A_70 = tpu.memref_slice %arg8[%add3A_34, %dma_wait3A_69] : memref<42x120xi32, #tpu.memory_space<vmem>> -> memref<1x120xi32, #tpu.memory_space<vmem>>
          %dma_wait3A_71 = tpu.memref_squeeze %dma_wait3A_70 : memref<1x120xi32, #tpu.memory_space<vmem>> -> memref<120xi32, #tpu.memory_space<vmem>>
          %dma_wait3A_72 = arith.constant 0 : i32
          %dma_wait3A_73 = arith.constant 0 : i32
          %dma_wait3A_74 = tpu.memref_slice %arg11[%dma_wait3A_72, %dma_wait3A_73] : memref<10240x128xf32, #tpu.memory_space<vmem_shared>> -> memref<10240x128xf32, #tpu.memory_space<vmem_shared>>
          tpu.wait_indirect_dma semaphore(%run_scoped3A : memref<!tpu.dma_semaphore, #tpu.memory_space<semaphore_mem>>) src(%arg9 : memref<120x128xf32, #tpu.memory_space<vmem>>) dst(%dma_wait3A_74 : memref<10240x128xf32, #tpu.memory_space<vmem_shared>>)
          tpu.yield
        }) : () -> ()
        %add3A_40 = arith.constant 2 : i32
        %add3A_41 = arith.addi %add3A_34, %add3A_40 : i32
        %lt3A = arith.constant 42 : i32
        %lt3A_42 = arith.cmpi slt, %add3A_41, %lt3A : i32
        %convert_element_type3A_43 = arith.extui %lt3A_42 : i1 to i32
        %cond3A_44 = arith.constant 0 : i32
        %cond3A_45 = arith.cmpi ne, %convert_element_type3A_43, %cond3A_44 : i32
        scf.if %cond3A_45 {
          %add3A_63 = arith.constant 2 : i32
          %add3A_64 = arith.addi %add3A_34, %add3A_63 : i32
          %dma_start3A_65 = arith.constant 0 : i32
          %dma_start3A_66 = tpu.memref_slice %arg7[%add3A_64, %dma_start3A_65] : memref<42x120xi32, #tpu.memory_space<vmem>> -> memref<1x120xi32, #tpu.memory_space<vmem>>
          %dma_start3A_67 = tpu.memref_squeeze %dma_start3A_66 : memref<1x120xi32, #tpu.memory_space<vmem>> -> memref<120xi32, #tpu.memory_space<vmem>>
          %dma_start3A_68 = arith.constant 0 : i32
          %dma_start3A_69 = arith.constant 0 : i32
          %dma_start3A_70 = tpu.memref_slice %arg2[%dma_start3A_68, %dma_start3A_69] : memref<10000x128xf32, #tpu.memory_space<hbm>> -> memref<10000x128xf32, #tpu.memory_space<hbm>>
          tpu.enqueue_indirect_dma source(%dma_start3A_70 : memref<10000x128xf32, #tpu.memory_space<hbm>>) target(%arg9 : memref<120x128xf32, #tpu.memory_space<vmem>>) offsets(%dma_start3A_67 : memref<120xi32, #tpu.memory_space<vmem>>) semaphore(%arg12 : memref<!tpu.dma_semaphore, #tpu.memory_space<semaphore_mem>>)
        } else {
        }
        %mul3A_46 = arith.constant 2 : i32
        %mul3A_47 = arith.muli %mul3A_46, %scan3A_30 : i32
        %add3A_48 = arith.constant 1 : i32
        %add3A_49 = arith.addi %mul3A_47, %add3A_48 : i32
        %dma_wait3A_50 = arith.constant 0 : i32
        %dma_wait3A_51 = tpu.memref_slice %arg7[%add3A_49, %dma_wait3A_50] : memref<42x120xi32, #tpu.memory_space<vmem>> -> memref<1x120xi32, #tpu.memory_space<vmem>>
        %dma_wait3A_52 = tpu.memref_squeeze %dma_wait3A_51 : memref<1x120xi32, #tpu.memory_space<vmem>> -> memref<120xi32, #tpu.memory_space<vmem>>
        %dma_wait3A_53 = arith.constant 0 : i32
        %dma_wait3A_54 = arith.constant 0 : i32
        %dma_wait3A_55 = tpu.memref_slice %arg2[%dma_wait3A_53, %dma_wait3A_54] : memref<10000x128xf32, #tpu.memory_space<hbm>> -> memref<10000x128xf32, #tpu.memory_space<hbm>>
        tpu.wait_indirect_dma semaphore(%arg13 : memref<!tpu.dma_semaphore, #tpu.memory_space<semaphore_mem>>) src(%dma_wait3A_55 : memref<10000x128xf32, #tpu.memory_space<hbm>>) dst(%arg10 : memref<120x128xf32, #tpu.memory_space<vmem>>)
        "tpu.region"() ({
          %run_scoped3A = tpu.sem_alloc : memref<!tpu.dma_semaphore, #tpu.memory_space<semaphore_mem>>
          %dma_start3A_63 = arith.constant 0 : i32
          %dma_start3A_64 = tpu.memref_slice %arg8[%add3A_49, %dma_start3A_63] : memref<42x120xi32, #tpu.memory_space<vmem>> -> memref<1x120xi32, #tpu.memory_space<vmem>>
          %dma_start3A_65 = tpu.memref_squeeze %dma_start3A_64 : memref<1x120xi32, #tpu.memory_space<vmem>> -> memref<120xi32, #tpu.memory_space<vmem>>
          %dma_start3A_66 = arith.constant 0 : i32
          %dma_start3A_67 = arith.constant 0 : i32
          %dma_start3A_68 = tpu.memref_slice %arg11[%dma_start3A_66, %dma_start3A_67] : memref<10240x128xf32, #tpu.memory_space<vmem_shared>> -> memref<10240x128xf32, #tpu.memory_space<vmem_shared>>
          tpu.enqueue_indirect_dma source(%arg10 : memref<120x128xf32, #tpu.memory_space<vmem>>) target(%dma_start3A_68 : memref<10240x128xf32, #tpu.memory_space<vmem_shared>>) offsets(%dma_start3A_65 : memref<120xi32, #tpu.memory_space<vmem>>) semaphore(%run_scoped3A : memref<!tpu.dma_semaphore, #tpu.memory_space<semaphore_mem>>) {add = true}
          %dma_wait3A_69 = arith.constant 0 : i32
          %dma_wait3A_70 = tpu.memref_slice %arg8[%add3A_49, %dma_wait3A_69] : memref<42x120xi32, #tpu.memory_space<vmem>> -> memref<1x120xi32, #tpu.memory_space<vmem>>
          %dma_wait3A_71 = tpu.memref_squeeze %dma_wait3A_70 : memref<1x120xi32, #tpu.memory_space<vmem>> -> memref<120xi32, #tpu.memory_space<vmem>>
          %dma_wait3A_72 = arith.constant 0 : i32
          %dma_wait3A_73 = arith.constant 0 : i32
          %dma_wait3A_74 = tpu.memref_slice %arg11[%dma_wait3A_72, %dma_wait3A_73] : memref<10240x128xf32, #tpu.memory_space<vmem_shared>> -> memref<10240x128xf32, #tpu.memory_space<vmem_shared>>
          tpu.wait_indirect_dma semaphore(%run_scoped3A : memref<!tpu.dma_semaphore, #tpu.memory_space<semaphore_mem>>) src(%arg10 : memref<120x128xf32, #tpu.memory_space<vmem>>) dst(%dma_wait3A_74 : memref<10240x128xf32, #tpu.memory_space<vmem_shared>>)
          tpu.yield
        }) : () -> ()
        %add3A_56 = arith.constant 2 : i32
        %add3A_57 = arith.addi %add3A_49, %add3A_56 : i32
        %lt3A_58 = arith.constant 42 : i32
        %lt3A_59 = arith.cmpi slt, %add3A_57, %lt3A_58 : i32
        %convert_element_type3A_60 = arith.extui %lt3A_59 : i1 to i32
        %cond3A_61 = arith.constant 0 : i32
        %cond3A_62 = arith.cmpi ne, %convert_element_type3A_60, %cond3A_61 : i32
        scf.if %cond3A_62 {
          %add3A_63 = arith.constant 2 : i32
          %add3A_64 = arith.addi %add3A_49, %add3A_63 : i32
          %dma_start3A_65 = arith.constant 0 : i32
          %dma_start3A_66 = tpu.memref_slice %arg7[%add3A_64, %dma_start3A_65] : memref<42x120xi32, #tpu.memory_space<vmem>> -> memref<1x120xi32, #tpu.memory_space<vmem>>
          %dma_start3A_67 = tpu.memref_squeeze %dma_start3A_66 : memref<1x120xi32, #tpu.memory_space<vmem>> -> memref<120xi32, #tpu.memory_space<vmem>>
          %dma_start3A_68 = arith.constant 0 : i32
          %dma_start3A_69 = arith.constant 0 : i32
          %dma_start3A_70 = tpu.memref_slice %arg2[%dma_start3A_68, %dma_start3A_69] : memref<10000x128xf32, #tpu.memory_space<hbm>> -> memref<10000x128xf32, #tpu.memory_space<hbm>>
          tpu.enqueue_indirect_dma source(%dma_start3A_70 : memref<10000x128xf32, #tpu.memory_space<hbm>>) target(%arg10 : memref<120x128xf32, #tpu.memory_space<vmem>>) offsets(%dma_start3A_67 : memref<120xi32, #tpu.memory_space<vmem>>) semaphore(%arg13 : memref<!tpu.dma_semaphore, #tpu.memory_space<semaphore_mem>>)
        } else {
        }
      }
      %scan3A_29 = arith.constant 21 : i32
    }
    %scan3A_7 = arith.constant 2 : i32
    %barrier3A = arith.constant 0 : index
    tpu.barrier barrier_id(%barrier3A)
    "tpu.region"() ({
      %run_scoped3A = tpu.sem_alloc : memref<!tpu.dma_semaphore, #tpu.memory_space<semaphore_mem>>
      %dma_start3A = arith.constant 0 : i32
      %dma_start3A_8 = tpu.memref_slice %arg6[%arg0, %mul3A_2, %dma_start3A] : memref<2x10240x128xf32, #tpu.memory_space<hbm>> -> memref<1x640x128xf32, #tpu.memory_space<hbm>>
      %dma_start3A_9 = tpu.memref_squeeze %dma_start3A_8 : memref<1x640x128xf32, #tpu.memory_space<hbm>> -> memref<640x128xf32, #tpu.memory_space<hbm>>
      %dma_start3A_10 = arith.constant 0 : i32
      %dma_start3A_11 = tpu.memref_slice %arg11[%mul3A_2, %dma_start3A_10] : memref<10240x128xf32, #tpu.memory_space<vmem_shared>> -> memref<640x128xf32, #tpu.memory_space<vmem_shared>>
      tpu.enqueue_dma source(%dma_start3A_11 : memref<640x128xf32, #tpu.memory_space<vmem_shared>>) target(%dma_start3A_9 : memref<640x128xf32, #tpu.memory_space<hbm>>) target_semaphore(%run_scoped3A : memref<!tpu.dma_semaphore, #tpu.memory_space<semaphore_mem>>)
      %dma_wait3A = arith.constant 0 : i32
      %dma_wait3A_12 = tpu.memref_slice %arg6[%arg0, %mul3A_2, %dma_wait3A] : memref<2x10240x128xf32, #tpu.memory_space<hbm>> -> memref<1x640x128xf32, #tpu.memory_space<hbm>>
      %dma_wait3A_13 = tpu.memref_squeeze %dma_wait3A_12 : memref<1x640x128xf32, #tpu.memory_space<hbm>> -> memref<640x128xf32, #tpu.memory_space<hbm>>
      %dma_wait3A_14 = arith.constant 0 : i32
      %dma_wait3A_15 = tpu.memref_slice %arg11[%mul3A_2, %dma_wait3A_14] : memref<10240x128xf32, #tpu.memory_space<vmem_shared>> -> memref<640x128xf32, #tpu.memory_space<vmem_shared>>
      tpu.wait_dma2 semaphore(%run_scoped3A : memref<!tpu.dma_semaphore, #tpu.memory_space<semaphore_mem>>) src(%dma_wait3A_15 : memref<640x128xf32, #tpu.memory_space<vmem_shared>>) dst(%dma_wait3A_13 : memref<640x128xf32, #tpu.memory_space<hbm>>)
      tpu.yield
    }) : () -> ()
    return
  }
}

module attributes {stable_mosaic.version = 14 : i64} {
  func.func @_mlp_pool_body(%arg0: i32, %arg1: memref<2000x128xf32, #tpu.memory_space<vmem>>, %arg2: memref<2x2000x128xf32, #tpu.memory_space<vmem>>, %arg3: memref<2000x1xi32, #tpu.memory_space<vmem>>, %arg4: memref<128x128xf32, #tpu.memory_space<vmem>>, %arg5: memref<1x128xf32, #tpu.memory_space<vmem>>, %arg6: memref<1x128xf32, #tpu.memory_space<vmem>>, %arg7: memref<1x128xf32, #tpu.memory_space<vmem>>, %arg8: memref<128x128xf32, #tpu.memory_space<vmem>>, %arg9: memref<1x128xf32, #tpu.memory_space<vmem>>, %arg10: memref<2000x128xf32, #tpu.memory_space<vmem>>, %arg11: memref<128x128xf32, #tpu.memory_space<vmem>>) attributes {dimension_semantics = [#tpu.dimension_semantics<arbitrary>], iteration_bounds = array<i64: 5>, scalar_prefetch = 0 : i64, scratch_operands = 0 : i64, tpu.core_type = #tpu.core_type<tc>, window_params = [{transform_indices = @transform_0, window_bounds = array<i64: 2000, 128>}, {transform_indices = @transform_1, window_bounds = array<i64: 2, 2000, 128>}, {transform_indices = @transform_2, window_bounds = array<i64: 2000, 1>}, {pipeline_mode = #tpu.pipeline_mode<synchronous>, transform_indices = @transform_3, window_bounds = array<i64: 128, 128>}, {pipeline_mode = #tpu.pipeline_mode<synchronous>, transform_indices = @transform_4, window_bounds = array<i64: 1, 128>}, {pipeline_mode = #tpu.pipeline_mode<synchronous>, transform_indices = @transform_5, window_bounds = array<i64: 1, 128>}, {pipeline_mode = #tpu.pipeline_mode<synchronous>, transform_indices = @transform_6, window_bounds = array<i64: 1, 128>}, {pipeline_mode = #tpu.pipeline_mode<synchronous>, transform_indices = @transform_7, window_bounds = array<i64: 128, 128>}, {pipeline_mode = #tpu.pipeline_mode<synchronous>, transform_indices = @transform_8, window_bounds = array<i64: 1, 128>}, {transform_indices = @transform_9, window_bounds = array<i64: 2000, 128>}, {pipeline_mode = #tpu.pipeline_mode<synchronous>, transform_indices = @transform_10, window_bounds = array<i64: 128, 128>}]} {
    %get3A = arith.constant 0 : index
    %get3A_0 = arith.constant 0 : index
    %get3A_1 = vector.load %arg1[%get3A, %get3A_0] : memref<2000x128xf32, #tpu.memory_space<vmem>>, vector<2000x128xf32>
    %get3A_2 = arith.constant 0 : index
    %get3A_3 = arith.constant 0 : index
    %get3A_4 = arith.constant 0 : index
    %get3A_5 = vector.load %arg2[%get3A_2, %get3A_3, %get3A_4] : memref<2x2000x128xf32, #tpu.memory_space<vmem>>, vector<1x2000x128xf32>
    %get3A_6 = vector.shape_cast %get3A_5 : vector<1x2000x128xf32> to vector<2000x128xf32>
    %add3A = arith.addf %get3A_1, %get3A_6 : vector<2000x128xf32>
    %get3A_7 = arith.constant 1 : index
    %get3A_8 = arith.constant 0 : index
    %get3A_9 = arith.constant 0 : index
    %get3A_10 = vector.load %arg2[%get3A_7, %get3A_8, %get3A_9] : memref<2x2000x128xf32, #tpu.memory_space<vmem>>, vector<1x2000x128xf32>
    %get3A_11 = vector.shape_cast %get3A_10 : vector<1x2000x128xf32> to vector<2000x128xf32>
    %add3A_12 = arith.addf %add3A, %get3A_11 : vector<2000x128xf32>
    %get3A_13 = arith.constant 0 : index
    %get3A_14 = arith.constant 0 : index
    %get3A_15 = vector.load %arg4[%get3A_13, %get3A_14] : memref<128x128xf32, #tpu.memory_space<vmem>>, vector<128x128xf32>
    %dot_general3A = arith.constant dense<0.000000e+00> : vector<2000x128xf32>
    %dot_general3A_16 = tpu.matmul %add3A_12, %get3A_15, %dot_general3A {dimension_numbers = #tpu.dot_dimension_numbers<[1], [0], [0], [1], [0, 0, 1, 1], [], []>, transpose_lhs_hint = false} : vector<2000x128xf32>, vector<128x128xf32>, vector<2000x128xf32> -> vector<2000x128xf32>
    %get3A_17 = arith.constant 0 : index
    %get3A_18 = arith.constant 0 : index
    %get3A_19 = vector.load %arg5[%get3A_17, %get3A_18] : memref<1x128xf32, #tpu.memory_space<vmem>>, vector<1x128xf32>
    %add3A_20 = vector.broadcast %get3A_19 : vector<1x128xf32> to vector<2000x128xf32>
    %add3A_21 = arith.addf %dot_general3A_16, %add3A_20 : vector<2000x128xf32>
    %get3A_22 = arith.constant 0 : index
    %get3A_23 = arith.constant 0 : index
    %get3A_24 = vector.load %arg6[%get3A_22, %get3A_23] : memref<1x128xf32, #tpu.memory_space<vmem>>, vector<1x128xf32>
    %mul3A = arith.constant 0.999994993 : f32
    %mul3A_25 = vector.broadcast %mul3A : f32 to vector<1x128xf32>
    %mul3A_26 = arith.mulf %get3A_24, %mul3A_25 : vector<1x128xf32>
    %mul3A_27 = vector.broadcast %mul3A_26 : vector<1x128xf32> to vector<2000x128xf32>
    %mul3A_28 = arith.mulf %add3A_21, %mul3A_27 : vector<2000x128xf32>
    %get3A_29 = arith.constant 0 : index
    %get3A_30 = arith.constant 0 : index
    %get3A_31 = vector.load %arg7[%get3A_29, %get3A_30] : memref<1x128xf32, #tpu.memory_space<vmem>>, vector<1x128xf32>
    %add3A_32 = vector.broadcast %get3A_31 : vector<1x128xf32> to vector<2000x128xf32>
    %add3A_33 = arith.addf %mul3A_28, %add3A_32 : vector<2000x128xf32>
    %max3A = arith.constant 0.000000e+00 : f32
    %max3A_34 = vector.broadcast %max3A : f32 to vector<2000x128xf32>
    %max3A_35 = arith.maximumf %add3A_33, %max3A_34 : vector<2000x128xf32>
    %get3A_36 = arith.constant 0 : index
    %get3A_37 = arith.constant 0 : index
    %get3A_38 = vector.load %arg8[%get3A_36, %get3A_37] : memref<128x128xf32, #tpu.memory_space<vmem>>, vector<128x128xf32>
    %dot_general3A_39 = arith.constant dense<0.000000e+00> : vector<2000x128xf32>
    %dot_general3A_40 = tpu.matmul %max3A_35, %get3A_38, %dot_general3A_39 {dimension_numbers = #tpu.dot_dimension_numbers<[1], [0], [0], [1], [0, 0, 1, 1], [], []>, transpose_lhs_hint = false} : vector<2000x128xf32>, vector<128x128xf32>, vector<2000x128xf32> -> vector<2000x128xf32>
    %get3A_41 = arith.constant 0 : index
    %get3A_42 = arith.constant 0 : index
    %get3A_43 = vector.load %arg9[%get3A_41, %get3A_42] : memref<1x128xf32, #tpu.memory_space<vmem>>, vector<1x128xf32>
    %add3A_44 = vector.broadcast %get3A_43 : vector<1x128xf32> to vector<2000x128xf32>
    %add3A_45 = arith.addf %dot_general3A_40, %add3A_44 : vector<2000x128xf32>
    %max3A_46 = arith.constant 0.000000e+00 : f32
    %max3A_47 = vector.broadcast %max3A_46 : f32 to vector<2000x128xf32>
    %max3A_48 = arith.maximumf %add3A_45, %max3A_47 : vector<2000x128xf32>
    %swap3A = arith.constant 0 : index
    %swap3A_49 = arith.constant 0 : index
    %swap3A_50 = vector.load %arg10[%swap3A, %swap3A_49] : memref<2000x128xf32, #tpu.memory_space<vmem>>, vector<2000x128xf32>
    tpu.vector_store %arg10[%swap3A, %swap3A_49], %max3A_48 {strides = array<i32>} : memref<2000x128xf32, #tpu.memory_space<vmem>>, vector<2000x128xf32>,
    %get3A_51 = arith.constant 0 : index
    %get3A_52 = arith.constant 0 : index
    %get3A_53 = vector.load %arg3[%get3A_51, %get3A_52] : memref<2000x1xi32, #tpu.memory_space<vmem>>, vector<2000x1xi32>
    %squeeze3A = vector.shape_cast %get3A_53 : vector<2000x1xi32> to vector<2000xi32>
    %iota3A = tpu.iota {dimensions = array<i32: 0>} : vector<128x2000xi32>
    %broadcast_in_dim3A = vector.shape_cast %squeeze3A : vector<2000xi32> to vector<1x2000xi32>
    %eq3A = vector.broadcast %broadcast_in_dim3A : vector<1x2000xi32> to vector<128x2000xi32>
    %eq3A_54 = arith.cmpi eq, %iota3A, %eq3A : vector<128x2000xi32>
    %convert_element_type3A = arith.extui %eq3A_54 : vector<128x2000xi1> to vector<128x2000xi32>
    %convert_element_type3A_55 = arith.sitofp %convert_element_type3A : vector<128x2000xi32> to vector<128x2000xf32>
    %dot_general3A_56 = arith.constant dense<0.000000e+00> : vector<128x128xf32>
    %dot_general3A_57 = tpu.matmul %convert_element_type3A_55, %max3A_48, %dot_general3A_56 {dimension_numbers = #tpu.dot_dimension_numbers<[1], [0], [0], [1], [0, 0, 1, 1], [], []>, transpose_lhs_hint = false} : vector<128x2000xf32>, vector<2000x128xf32>, vector<128x128xf32> -> vector<128x128xf32>
    %eq3A_58 = arith.constant 0 : i32
    %eq3A_59 = arith.cmpi eq, %arg0, %eq3A_58 : i32
    %convert_element_type3A_60 = arith.extui %eq3A_59 : i1 to i32
    %cond3A = arith.constant 0 : i32
    %cond3A_61 = arith.cmpi ne, %convert_element_type3A_60, %cond3A : i32
    scf.if %cond3A_61 {
      %broadcast_in_dim3A_69 = arith.constant 0.000000e+00 : f32
      %broadcast_in_dim3A_70 = vector.broadcast %broadcast_in_dim3A_69 : f32 to vector<128x128xf32>
      %swap3A_71 = arith.constant 0 : index
      %swap3A_72 = arith.constant 0 : index
      %swap3A_73 = vector.load %arg11[%swap3A_71, %swap3A_72] : memref<128x128xf32, #tpu.memory_space<vmem>>, vector<128x128xf32>
      tpu.vector_store %arg11[%swap3A_71, %swap3A_72], %broadcast_in_dim3A_70 {strides = array<i32>} : memref<128x128xf32, #tpu.memory_space<vmem>>, vector<128x128xf32>,
    } else {
    }
    %get3A_62 = arith.constant 0 : index
    %get3A_63 = arith.constant 0 : index
    %get3A_64 = vector.load %arg11[%get3A_62, %get3A_63] : memref<128x128xf32, #tpu.memory_space<vmem>>, vector<128x128xf32>
    %add3A_65 = arith.addf %get3A_64, %dot_general3A_57 : vector<128x128xf32>
    %swap3A_66 = arith.constant 0 : index
    %swap3A_67 = arith.constant 0 : index
    %swap3A_68 = vector.load %arg11[%swap3A_66, %swap3A_67] : memref<128x128xf32, #tpu.memory_space<vmem>>, vector<128x128xf32>
    tpu.vector_store %arg11[%swap3A_66, %swap3A_67], %add3A_65 {strides = array<i32>} : memref<128x128xf32, #tpu.memory_space<vmem>>, vector<128x128xf32>,
    return
  }
  func.func @transform_0(%arg0: i32) -> (i32, i32) {
    %c0_i32 = arith.constant 0 : i32
    %c0_i32_0 = arith.constant 0 : i32
    return %arg0, %c0_i32 : i32, i32
  }
  func.func @transform_1(%arg0: i32) -> (i32, i32, i32) {
    %c0_i32 = arith.constant 0 : i32
    %c0_i32_0 = arith.constant 0 : i32
    %c0_i32_1 = arith.constant 0 : i32
    return %c0_i32, %arg0, %c0_i32_0 : i32, i32, i32
  }
  func.func @transform_2(%arg0: i32) -> (i32, i32) {
    %c0_i32 = arith.constant 0 : i32
    %c0_i32_0 = arith.constant 0 : i32
    return %arg0, %c0_i32 : i32, i32
  }
  func.func @transform_3(%arg0: i32) -> (i32, i32) {
    %c0_i32 = arith.constant 0 : i32
    %c0_i32_0 = arith.constant 0 : i32
    %c0_i32_1 = arith.constant 0 : i32
    return %c0_i32, %c0_i32_0 : i32, i32
  }
  func.func @transform_4(%arg0: i32) -> (i32, i32) {
    %c0_i32 = arith.constant 0 : i32
    %c0_i32_0 = arith.constant 0 : i32
    %c0_i32_1 = arith.constant 0 : i32
    return %c0_i32, %c0_i32_0 : i32, i32
  }
  func.func @transform_5(%arg0: i32) -> (i32, i32) {
    %c0_i32 = arith.constant 0 : i32
    %c0_i32_0 = arith.constant 0 : i32
    %c0_i32_1 = arith.constant 0 : i32
    return %c0_i32, %c0_i32_0 : i32, i32
  }
  func.func @transform_6(%arg0: i32) -> (i32, i32) {
    %c0_i32 = arith.constant 0 : i32
    %c0_i32_0 = arith.constant 0 : i32
    %c0_i32_1 = arith.constant 0 : i32
    return %c0_i32, %c0_i32_0 : i32, i32
  }
  func.func @transform_7(%arg0: i32) -> (i32, i32) {
    %c0_i32 = arith.constant 0 : i32
    %c0_i32_0 = arith.constant 0 : i32
    %c0_i32_1 = arith.constant 0 : i32
    return %c0_i32, %c0_i32_0 : i32, i32
  }
  func.func @transform_8(%arg0: i32) -> (i32, i32) {
    %c0_i32 = arith.constant 0 : i32
    %c0_i32_0 = arith.constant 0 : i32
    %c0_i32_1 = arith.constant 0 : i32
    return %c0_i32, %c0_i32_0 : i32, i32
  }
  func.func @transform_9(%arg0: i32) -> (i32, i32) {
    %c0_i32 = arith.constant 0 : i32
    %c0_i32_0 = arith.constant 0 : i32
    return %arg0, %c0_i32 : i32, i32
  }
  func.func @transform_10(%arg0: i32) -> (i32, i32) {
    %c0_i32 = arith.constant 0 : i32
    %c0_i32_0 = arith.constant 0 : i32
    %c0_i32_1 = arith.constant 0 : i32
    return %c0_i32, %c0_i32_0 : i32, i32
  }
}

module attributes {stable_mosaic.version = 14 : i64} {
  func.func @_mlp_pool_body(%arg0: i32, %arg1: memref<2000x128xf32, #tpu.memory_space<vmem>>, %arg2: memref<2x2000x128xf32, #tpu.memory_space<vmem>>, %arg3: memref<2000x1xi32, #tpu.memory_space<vmem>>, %arg4: memref<128x128xf32, #tpu.memory_space<vmem>>, %arg5: memref<1x128xf32, #tpu.memory_space<vmem>>, %arg6: memref<1x128xf32, #tpu.memory_space<vmem>>, %arg7: memref<1x128xf32, #tpu.memory_space<vmem>>, %arg8: memref<128x128xf32, #tpu.memory_space<vmem>>, %arg9: memref<1x128xf32, #tpu.memory_space<vmem>>, %arg10: memref<2000x128xf32, #tpu.memory_space<vmem>>, %arg11: memref<128x128xf32, #tpu.memory_space<vmem>>) attributes {dimension_semantics = [#tpu.dimension_semantics<arbitrary>], iteration_bounds = array<i64: 5>, scalar_prefetch = 0 : i64, scratch_operands = 0 : i64, tpu.core_type = #tpu.core_type<tc>, window_params = [{transform_indices = @transform_0, window_bounds = array<i64: 2000, 128>}, {transform_indices = @transform_1, window_bounds = array<i64: 2, 2000, 128>}, {transform_indices = @transform_2, window_bounds = array<i64: 2000, 1>}, {pipeline_mode = #tpu.pipeline_mode<synchronous>, transform_indices = @transform_3, window_bounds = array<i64: 128, 128>}, {pipeline_mode = #tpu.pipeline_mode<synchronous>, transform_indices = @transform_4, window_bounds = array<i64: 1, 128>}, {pipeline_mode = #tpu.pipeline_mode<synchronous>, transform_indices = @transform_5, window_bounds = array<i64: 1, 128>}, {pipeline_mode = #tpu.pipeline_mode<synchronous>, transform_indices = @transform_6, window_bounds = array<i64: 1, 128>}, {pipeline_mode = #tpu.pipeline_mode<synchronous>, transform_indices = @transform_7, window_bounds = array<i64: 128, 128>}, {pipeline_mode = #tpu.pipeline_mode<synchronous>, transform_indices = @transform_8, window_bounds = array<i64: 1, 128>}, {transform_indices = @transform_9, window_bounds = array<i64: 2000, 128>}, {pipeline_mode = #tpu.pipeline_mode<synchronous>, transform_indices = @transform_10, window_bounds = array<i64: 128, 128>}]} {
    %get3A = arith.constant 0 : index
    %get3A_0 = arith.constant 0 : index
    %get3A_1 = vector.load %arg1[%get3A, %get3A_0] : memref<2000x128xf32, #tpu.memory_space<vmem>>, vector<2000x128xf32>
    %get3A_2 = arith.constant 0 : index
    %get3A_3 = arith.constant 0 : index
    %get3A_4 = arith.constant 0 : index
    %get3A_5 = vector.load %arg2[%get3A_2, %get3A_3, %get3A_4] : memref<2x2000x128xf32, #tpu.memory_space<vmem>>, vector<1x2000x128xf32>
    %get3A_6 = vector.shape_cast %get3A_5 : vector<1x2000x128xf32> to vector<2000x128xf32>
    %add3A = arith.addf %get3A_1, %get3A_6 : vector<2000x128xf32>
    %get3A_7 = arith.constant 1 : index
    %get3A_8 = arith.constant 0 : index
    %get3A_9 = arith.constant 0 : index
    %get3A_10 = vector.load %arg2[%get3A_7, %get3A_8, %get3A_9] : memref<2x2000x128xf32, #tpu.memory_space<vmem>>, vector<1x2000x128xf32>
    %get3A_11 = vector.shape_cast %get3A_10 : vector<1x2000x128xf32> to vector<2000x128xf32>
    %add3A_12 = arith.addf %add3A, %get3A_11 : vector<2000x128xf32>
    %get3A_13 = arith.constant 0 : index
    %get3A_14 = arith.constant 0 : index
    %get3A_15 = vector.load %arg4[%get3A_13, %get3A_14] : memref<128x128xf32, #tpu.memory_space<vmem>>, vector<128x128xf32>
    %dot_general3A = arith.constant dense<0.000000e+00> : vector<2000x128xf32>
    %dot_general3A_16 = tpu.matmul %add3A_12, %get3A_15, %dot_general3A {dimension_numbers = #tpu.dot_dimension_numbers<[1], [0], [0], [1], [0, 0, 1, 1], [], []>, transpose_lhs_hint = false} : vector<2000x128xf32>, vector<128x128xf32>, vector<2000x128xf32> -> vector<2000x128xf32>
    %get3A_17 = arith.constant 0 : index
    %get3A_18 = arith.constant 0 : index
    %get3A_19 = vector.load %arg5[%get3A_17, %get3A_18] : memref<1x128xf32, #tpu.memory_space<vmem>>, vector<1x128xf32>
    %add3A_20 = vector.broadcast %get3A_19 : vector<1x128xf32> to vector<2000x128xf32>
    %add3A_21 = arith.addf %dot_general3A_16, %add3A_20 : vector<2000x128xf32>
    %get3A_22 = arith.constant 0 : index
    %get3A_23 = arith.constant 0 : index
    %get3A_24 = vector.load %arg6[%get3A_22, %get3A_23] : memref<1x128xf32, #tpu.memory_space<vmem>>, vector<1x128xf32>
    %mul3A = arith.constant 0.999994993 : f32
    %mul3A_25 = vector.broadcast %mul3A : f32 to vector<1x128xf32>
    %mul3A_26 = arith.mulf %get3A_24, %mul3A_25 : vector<1x128xf32>
    %mul3A_27 = vector.broadcast %mul3A_26 : vector<1x128xf32> to vector<2000x128xf32>
    %mul3A_28 = arith.mulf %add3A_21, %mul3A_27 : vector<2000x128xf32>
    %get3A_29 = arith.constant 0 : index
    %get3A_30 = arith.constant 0 : index
    %get3A_31 = vector.load %arg7[%get3A_29, %get3A_30] : memref<1x128xf32, #tpu.memory_space<vmem>>, vector<1x128xf32>
    %add3A_32 = vector.broadcast %get3A_31 : vector<1x128xf32> to vector<2000x128xf32>
    %add3A_33 = arith.addf %mul3A_28, %add3A_32 : vector<2000x128xf32>
    %max3A = arith.constant 0.000000e+00 : f32
    %max3A_34 = vector.broadcast %max3A : f32 to vector<2000x128xf32>
    %max3A_35 = arith.maximumf %add3A_33, %max3A_34 : vector<2000x128xf32>
    %get3A_36 = arith.constant 0 : index
    %get3A_37 = arith.constant 0 : index
    %get3A_38 = vector.load %arg8[%get3A_36, %get3A_37] : memref<128x128xf32, #tpu.memory_space<vmem>>, vector<128x128xf32>
    %dot_general3A_39 = arith.constant dense<0.000000e+00> : vector<2000x128xf32>
    %dot_general3A_40 = tpu.matmul %max3A_35, %get3A_38, %dot_general3A_39 {dimension_numbers = #tpu.dot_dimension_numbers<[1], [0], [0], [1], [0, 0, 1, 1], [], []>, transpose_lhs_hint = false} : vector<2000x128xf32>, vector<128x128xf32>, vector<2000x128xf32> -> vector<2000x128xf32>
    %get3A_41 = arith.constant 0 : index
    %get3A_42 = arith.constant 0 : index
    %get3A_43 = vector.load %arg9[%get3A_41, %get3A_42] : memref<1x128xf32, #tpu.memory_space<vmem>>, vector<1x128xf32>
    %add3A_44 = vector.broadcast %get3A_43 : vector<1x128xf32> to vector<2000x128xf32>
    %add3A_45 = arith.addf %dot_general3A_40, %add3A_44 : vector<2000x128xf32>
    %max3A_46 = arith.constant 0.000000e+00 : f32
    %max3A_47 = vector.broadcast %max3A_46 : f32 to vector<2000x128xf32>
    %max3A_48 = arith.maximumf %add3A_45, %max3A_47 : vector<2000x128xf32>
    %swap3A = arith.constant 0 : index
    %swap3A_49 = arith.constant 0 : index
    %swap3A_50 = vector.load %arg10[%swap3A, %swap3A_49] : memref<2000x128xf32, #tpu.memory_space<vmem>>, vector<2000x128xf32>
    tpu.vector_store %arg10[%swap3A, %swap3A_49], %max3A_48 {strides = array<i32>} : memref<2000x128xf32, #tpu.memory_space<vmem>>, vector<2000x128xf32>,
    %get3A_51 = arith.constant 0 : index
    %get3A_52 = arith.constant 0 : index
    %get3A_53 = vector.load %arg3[%get3A_51, %get3A_52] : memref<2000x1xi32, #tpu.memory_space<vmem>>, vector<2000x1xi32>
    %squeeze3A = vector.shape_cast %get3A_53 : vector<2000x1xi32> to vector<2000xi32>
    %iota3A = tpu.iota {dimensions = array<i32: 0>} : vector<128x2000xi32>
    %broadcast_in_dim3A = vector.shape_cast %squeeze3A : vector<2000xi32> to vector<1x2000xi32>
    %eq3A = vector.broadcast %broadcast_in_dim3A : vector<1x2000xi32> to vector<128x2000xi32>
    %eq3A_54 = arith.cmpi eq, %iota3A, %eq3A : vector<128x2000xi32>
    %convert_element_type3A = arith.extui %eq3A_54 : vector<128x2000xi1> to vector<128x2000xi32>
    %convert_element_type3A_55 = arith.sitofp %convert_element_type3A : vector<128x2000xi32> to vector<128x2000xf32>
    %dot_general3A_56 = arith.constant dense<0.000000e+00> : vector<128x128xf32>
    %dot_general3A_57 = tpu.matmul %convert_element_type3A_55, %max3A_48, %dot_general3A_56 {dimension_numbers = #tpu.dot_dimension_numbers<[1], [0], [0], [1], [0, 0, 1, 1], [], []>, transpose_lhs_hint = false} : vector<128x2000xf32>, vector<2000x128xf32>, vector<128x128xf32> -> vector<128x128xf32>
    %eq3A_58 = arith.constant 0 : i32
    %eq3A_59 = arith.cmpi eq, %arg0, %eq3A_58 : i32
    %convert_element_type3A_60 = arith.extui %eq3A_59 : i1 to i32
    %cond3A = arith.constant 0 : i32
    %cond3A_61 = arith.cmpi ne, %convert_element_type3A_60, %cond3A : i32
    scf.if %cond3A_61 {
      %broadcast_in_dim3A_69 = arith.constant 0.000000e+00 : f32
      %broadcast_in_dim3A_70 = vector.broadcast %broadcast_in_dim3A_69 : f32 to vector<128x128xf32>
      %swap3A_71 = arith.constant 0 : index
      %swap3A_72 = arith.constant 0 : index
      %swap3A_73 = vector.load %arg11[%swap3A_71, %swap3A_72] : memref<128x128xf32, #tpu.memory_space<vmem>>, vector<128x128xf32>
      tpu.vector_store %arg11[%swap3A_71, %swap3A_72], %broadcast_in_dim3A_70 {strides = array<i32>} : memref<128x128xf32, #tpu.memory_space<vmem>>, vector<128x128xf32>,
    } else {
    }
    %get3A_62 = arith.constant 0 : index
    %get3A_63 = arith.constant 0 : index
    %get3A_64 = vector.load %arg11[%get3A_62, %get3A_63] : memref<128x128xf32, #tpu.memory_space<vmem>>, vector<128x128xf32>
    %add3A_65 = arith.addf %get3A_64, %dot_general3A_57 : vector<128x128xf32>
    %swap3A_66 = arith.constant 0 : index
    %swap3A_67 = arith.constant 0 : index
    %swap3A_68 = vector.load %arg11[%swap3A_66, %swap3A_67] : memref<128x128xf32, #tpu.memory_space<vmem>>, vector<128x128xf32>
    tpu.vector_store %arg11[%swap3A_66, %swap3A_67], %add3A_65 {strides = array<i32>} : memref<128x128xf32, #tpu.memory_space<vmem>>, vector<128x128xf32>,
    return
  }
  func.func @transform_0(%arg0: i32) -> (i32, i32) {
    %c0_i32 = arith.constant 0 : i32
    %c0_i32_0 = arith.constant 0 : i32
    return %arg0, %c0_i32 : i32, i32
  }
  func.func @transform_1(%arg0: i32) -> (i32, i32, i32) {
    %c0_i32 = arith.constant 0 : i32
    %c0_i32_0 = arith.constant 0 : i32
    %c0_i32_1 = arith.constant 0 : i32
    return %c0_i32, %arg0, %c0_i32_0 : i32, i32, i32
  }
  func.func @transform_2(%arg0: i32) -> (i32, i32) {
    %c0_i32 = arith.constant 0 : i32
    %c0_i32_0 = arith.constant 0 : i32
    return %arg0, %c0_i32 : i32, i32
  }
  func.func @transform_3(%arg0: i32) -> (i32, i32) {
    %c0_i32 = arith.constant 0 : i32
    %c0_i32_0 = arith.constant 0 : i32
    %c0_i32_1 = arith.constant 0 : i32
    return %c0_i32, %c0_i32_0 : i32, i32
  }
  func.func @transform_4(%arg0: i32) -> (i32, i32) {
    %c0_i32 = arith.constant 0 : i32
    %c0_i32_0 = arith.constant 0 : i32
    %c0_i32_1 = arith.constant 0 : i32
    return %c0_i32, %c0_i32_0 : i32, i32
  }
  func.func @transform_5(%arg0: i32) -> (i32, i32) {
    %c0_i32 = arith.constant 0 : i32
    %c0_i32_0 = arith.constant 0 : i32
    %c0_i32_1 = arith.constant 0 : i32
    return %c0_i32, %c0_i32_0 : i32, i32
  }
  func.func @transform_6(%arg0: i32) -> (i32, i32) {
    %c0_i32 = arith.constant 0 : i32
    %c0_i32_0 = arith.constant 0 : i32
    %c0_i32_1 = arith.constant 0 : i32
    return %c0_i32, %c0_i32_0 : i32, i32
  }
  func.func @transform_7(%arg0: i32) -> (i32, i32) {
    %c0_i32 = arith.constant 0 : i32
    %c0_i32_0 = arith.constant 0 : i32
    %c0_i32_1 = arith.constant 0 : i32
    return %c0_i32, %c0_i32_0 : i32, i32
  }
  func.func @transform_8(%arg0: i32) -> (i32, i32) {
    %c0_i32 = arith.constant 0 : i32
    %c0_i32_0 = arith.constant 0 : i32
    %c0_i32_1 = arith.constant 0 : i32
    return %c0_i32, %c0_i32_0 : i32, i32
  }
  func.func @transform_9(%arg0: i32) -> (i32, i32) {
    %c0_i32 = arith.constant 0 : i32
    %c0_i32_0 = arith.constant 0 : i32
    return %arg0, %c0_i32 : i32, i32
  }
  func.func @transform_10(%arg0: i32) -> (i32, i32) {
    %c0_i32 = arith.constant 0 : i32
    %c0_i32_0 = arith.constant 0 : i32
    %c0_i32_1 = arith.constant 0 : i32
    return %c0_i32, %c0_i32_0 : i32, i32
  }
}

module attributes {stable_mosaic.version = 14 : i64} {
  func.func @_head_body(%arg0: memref<128x384xf32, #tpu.memory_space<vmem>>, %arg1: memref<384x384xf32, #tpu.memory_space<vmem>>, %arg2: memref<1x384xf32, #tpu.memory_space<vmem>>, %arg3: memref<384x128xf32, #tpu.memory_space<vmem>>, %arg4: memref<1x128xf32, #tpu.memory_space<vmem>>, %arg5: memref<128x128xf32, #tpu.memory_space<vmem>>, %arg6: memref<128x128xf32, #tpu.memory_space<vmem>>) attributes {dimension_semantics = [], scalar_prefetch = 0 : i64, scratch_operands = 0 : i64, tpu.core_type = #tpu.core_type<tc>} {
    %get3A = arith.constant 0 : index
    %get3A_0 = arith.constant 0 : index
    %get3A_1 = vector.load %arg0[%get3A, %get3A_0] : memref<128x384xf32, #tpu.memory_space<vmem>>, vector<128x384xf32>
    %get3A_2 = arith.constant 0 : index
    %get3A_3 = arith.constant 0 : index
    %get3A_4 = vector.load %arg1[%get3A_2, %get3A_3] : memref<384x384xf32, #tpu.memory_space<vmem>>, vector<384x384xf32>
    %dot_general3A = arith.constant dense<0.000000e+00> : vector<128x384xf32>
    %dot_general3A_5 = tpu.matmul %get3A_1, %get3A_4, %dot_general3A {dimension_numbers = #tpu.dot_dimension_numbers<[1], [0], [0], [1], [0, 0, 1, 1], [], []>, transpose_lhs_hint = false} : vector<128x384xf32>, vector<384x384xf32>, vector<128x384xf32> -> vector<128x384xf32>
    %get3A_6 = arith.constant 0 : index
    %get3A_7 = arith.constant 0 : index
    %get3A_8 = vector.load %arg2[%get3A_6, %get3A_7] : memref<1x384xf32, #tpu.memory_space<vmem>>, vector<1x384xf32>
    %add3A = vector.broadcast %get3A_8 : vector<1x384xf32> to vector<128x384xf32>
    %add3A_9 = arith.addf %dot_general3A_5, %add3A : vector<128x384xf32>
    %max3A = arith.constant 0.000000e+00 : f32
    %max3A_10 = vector.broadcast %max3A : f32 to vector<128x384xf32>
    %max3A_11 = arith.maximumf %add3A_9, %max3A_10 : vector<128x384xf32>
    %get3A_12 = arith.constant 0 : index
    %get3A_13 = arith.constant 0 : index
    %get3A_14 = vector.load %arg3[%get3A_12, %get3A_13] : memref<384x128xf32, #tpu.memory_space<vmem>>, vector<384x128xf32>
    %dot_general3A_15 = arith.constant dense<0.000000e+00> : vector<128x128xf32>
    %dot_general3A_16 = tpu.matmul %max3A_11, %get3A_14, %dot_general3A_15 {dimension_numbers = #tpu.dot_dimension_numbers<[1], [0], [0], [1], [0, 0, 1, 1], [], []>, transpose_lhs_hint = false} : vector<128x384xf32>, vector<384x128xf32>, vector<128x128xf32> -> vector<128x128xf32>
    %get3A_17 = arith.constant 0 : index
    %get3A_18 = arith.constant 0 : index
    %get3A_19 = vector.load %arg4[%get3A_17, %get3A_18] : memref<1x128xf32, #tpu.memory_space<vmem>>, vector<1x128xf32>
    %add3A_20 = vector.broadcast %get3A_19 : vector<1x128xf32> to vector<128x128xf32>
    %add3A_21 = arith.addf %dot_general3A_16, %add3A_20 : vector<128x128xf32>
    %reduce_max3A = arith.constant dense<0xFF800000> : vector<128xf32>
    %reduce_max3A_22 = vector.multi_reduction <maximumf>, %add3A_21, %reduce_max3A [1] : vector<128x128xf32> to vector<128xf32>
    %broadcast_in_dim3A = vector.shape_cast %reduce_max3A_22 : vector<128xf32> to vector<128x1xf32>
    %sub3A = vector.broadcast %broadcast_in_dim3A : vector<128x1xf32> to vector<128x128xf32>
    %sub3A_23 = arith.subf %add3A_21, %sub3A : vector<128x128xf32>
    %exp3A = math.exp %sub3A_23 : vector<128x128xf32>
    %reduce_sum3A = arith.constant dense<0.000000e+00> : vector<128xf32>
    %reduce_sum3A_24 = vector.multi_reduction <add>, %exp3A, %reduce_sum3A [1] : vector<128x128xf32> to vector<128xf32>
    %broadcast_in_dim3A_25 = vector.shape_cast %reduce_sum3A_24 : vector<128xf32> to vector<128x1xf32>
    %log3A = math.log %broadcast_in_dim3A_25 : vector<128x1xf32>
    %add3A_26 = arith.addf %log3A, %broadcast_in_dim3A : vector<128x1xf32>
    %swap3A = arith.constant 0 : index
    %swap3A_27 = arith.constant 0 : index
    %swap3A_28 = vector.load %arg5[%swap3A, %swap3A_27] : memref<128x128xf32, #tpu.memory_space<vmem>>, vector<128x128xf32>
    tpu.vector_store %arg5[%swap3A, %swap3A_27], %add3A_21 {strides = array<i32>} : memref<128x128xf32, #tpu.memory_space<vmem>>, vector<128x128xf32>,
    %sub3A_29 = vector.broadcast %add3A_26 : vector<128x1xf32> to vector<128x128xf32>
    %sub3A_30 = arith.subf %add3A_21, %sub3A_29 : vector<128x128xf32>
    %swap3A_31 = arith.constant 0 : index
    %swap3A_32 = arith.constant 0 : index
    %swap3A_33 = vector.load %arg6[%swap3A_31, %swap3A_32] : memref<128x128xf32, #tpu.memory_space<vmem>>, vector<128x128xf32>
    tpu.vector_store %arg6[%swap3A_31, %swap3A_32], %sub3A_30 {strides = array<i32>} : memref<128x128xf32, #tpu.memory_space<vmem>>, vector<128x128xf32>,
    return
  }
}

</mosaic_0001>

<sc_bundles>
// kernel: kernel.12.cloned.1.call-start
scs
__scs_entry_jumppad:
0x0: {  	(pc) =	sbr.rel $0x88, $3  }
0x1: {  	(tag) =	ssettag $0x0;
	lr =	simm.s32 $0x1  }
0x2: {  	[smem:$0x3F88] =	sst lr;
	_ =	strace $0xD0000000  }
0x3: {  	_ = 	snop  }
0x4: {  	_ = 	snop  }
0x5: {  	_ = 	snop  }
0x6: {  	_ = 	snop  }
0x7: {  	_ = 	snop  }
__scs_overlays_trampoline_lowered:
0x8: {  	[smem:$0x3F97] =	sst s0  }
0x9: {  	[smem:$0x3F98] =	sst s1  }
0xa: {  	[smem:$0x3F99] =	sst s2  }
0xb: {  	[smem:$0x3F9A] =	sst s3  }
0xc: {  	[smem:$0x3F9B] =	sst s4  }
0xd: {  	[smem:$0x3F9C] =	sst s5  }
0xe: {  	[smem:$0x3F9D] =	sst s6  }
0xf: {  	[smem:$0x3F9E] =	sst s7  }
0x10: {  	[smem:$0x3F9F] =	sst s8  }
0x11: {  	[smem:$0x3FA0] =	sst s9;
	s0 =	simm.s32 @!p0 $0x0  }
0x12: {  	s1 =	sld [smem:$0x3F86];
	s0 =	simm.s32 @p0 $0x1  }
0x13: {  	[smem:$0x3FA1] =	sst s0;
	s0 =	simm.s32 @!p1 $0x0  }
0x14: {  	s2 =	sld [smem:$0x3F85];
	s0 =	simm.s32 @p1 $0x1  }
0x15: {  	[smem:$0x3FA2] =	sst s0;
	s0 =	simm.s32 @!p2 $0x0  }
0x16: {  	s3 =	sld [smem:$0x3FDB];
	s0 =	simm.s32 @p2 $0x1  }
0x17: {  	s4 =	simm.s32 $0x1BF5;
	[smem:$0x3FA4] =	sst s0  }
0x18: {  	s0 =	sld [smem:$0x3F87];
	_ =	swait.ge [sflag:s4], $0x0  }
0x19: {  	s7 =	sld [smem:$0x3F88]  }
0x1a: {  	s8 =	sadd.s32 $0xFFFFE003, lr  }
0x1b: {  	s9 =	sadd.s32 $0xFFFFFEF7, lr;
	s5 =	simm.s32 $0xFFFFFFFF;
	p2 =	slt.u32 s8, $0xFFFFF086  }
0x1c: {  	p1 =	slt.u32 s9, $0xF7A;
	s5 =	simm.s32 @!p2 $0x0  }
0x1d: {  	s5 =	simm.s32 @p1 $0x1;
	p0 =	seq.s32 s7, s2  }
0x1e: {  	s7 =	smul.u32 @!p0 $0xF7A, s2;
	p2 =	seq.s32 @!p0 s5, $0x0  }
0x1f: {  	s9 =	smul.u32 $0xF7A, s1;
	s8 =	simm.s32 @!p0 $0x1BF5;
	p2 =	por !p2, p0  }
0x20: {  	[sflag:s8] =	ssyncset.s32 @!p0 $0xFFFFF086;
	s6 =	sadd.s32 @!p0 s3, s7;
	s7 =	simm.s32 @!p0 $0x108  }
0x21: {  	s3 =	sadd.s32 s3, s9;
	s6 =	sadd.s32 @!p0 $0x88, s6;
	s7 =	simm.s32 @p2 $0x1082  }
0x22: {  	[simem:s7], [sflag:s8] =	dma.local @!p0 [hbm:s6], $0xF7A  }
0x23: {  	s9 =	sor.u32 $0xD0000000, s2;
	s6 =	simm.s32 $0x108;
	_ =	swait.ge @!p0 [sflag:s8], $0x0  }
0x24: {  	s3 =	sadd.s32 $0x88, s3;
	s6 =	simm.s32 @!p1 $0x1082;
	[sflag:s4] =	ssyncset.s32 $0xFFFFF086  }
0x25: {  	[simem:s6], [sflag:s4] =	dma.local [hbm:s3], $0xF7A  }
0x26: {  	[smem:$0x3F88] =	sst s1;
	(tag) =	ssettag s2;
	_ =	strace s9  }
0x27: {  	s1 =	sld [smem:$0x3F98]  }
0x28: {  	s2 =	sld [smem:$0x3F99]  }
0x29: {  	s4 =	sld [smem:$0x3F9B]  }
0x2a: {  	p0 =	seq.s32 s5, $0x0;
	s5 =	sld [smem:$0x3F9C]  }
0x2b: {  	s6 =	sld [smem:$0x3F9D]  }
0x2c: {  	s7 =	sld [smem:$0x3F9E]  }
0x2d: {  	s3 =	simm.s32 $0x108;
	s8 =	sld [smem:$0x3F9F]  }
0x2e: {  	s3 =	simm.s32 @!p0 $0x1082;
	s9 =	sld [smem:$0x3FA0]  }
0x2f: {  	lr =	sadd.s32 s0, s3;
	s0 =	sld [smem:$0x3F97]  }
0x30: {  	s3 =	sld [smem:$0x3F9A]  }
0x31: {  	[smem:$0x3FA3] =	sst s10  }
0x32: {  	s10 =	sld [smem:$0x3FA1];
	_ =	sdelay $0x3  }
0x33: {  	p0 =	seq.s32 s10, $0x1;
	s10 =	sld [smem:$0x3FA3];
	_ =	sdelay $0x3  }
0x34: {  	[smem:$0x3FA3] =	sst s10  }
0x35: {  	s10 =	sld [smem:$0x3FA2];
	_ =	sdelay $0x3  }
0x36: {  	p1 =	seq.s32 s10, $0x1;
	s10 =	sld [smem:$0x3FA3];
	_ =	sdelay $0x3  }
0x37: {  	[smem:$0x3FA3] =	sst s10  }
0x38: {  	s10 =	sld [smem:$0x3FA4]  }
0x39: {  	_ = 	snop;
	(pc) =	sbr.ind lr, $3  }
0x3a: {  	_ = 	snop  }
0x3b: {  	_ = 	snop  }
0x3c: {  	p2 =	seq.s32 s10, $0x1;
	s10 =	sld [smem:$0x3FA3]  }
0x3d: {  	_ =	shalt  }
0x3e: {  	_ =	shalt  }
0x3f: {  	_ =	shalt  }
0x40: {  	_ =	shalt  }
0x41: {  	_ =	shalt  }
0x42: {  	_ =	shalt  }
0x43: {  	_ =	shalt  }
0x44: {  	_ =	shalt  }
0x45: {  	_ =	shalt  }
0x46: {  	_ =	shalt  }
0x47: {  	_ =	shalt  }
0x48: {  	_ =	shalt  }
0x49: {  	_ =	shalt  }
0x4a: {  	_ =	shalt  }
0x4b: {  	_ =	shalt  }
0x4c: {  	_ =	shalt  }
0x4d: {  	_ =	shalt  }
0x4e: {  	_ =	shalt  }
0x4f: {  	_ =	shalt  }
0x50: {  	_ =	shalt  }
0x51: {  	_ =	shalt  }
0x52: {  	_ =	shalt  }
0x53: {  	_ =	shalt  }
0x54: {  	_ =	shalt  }
0x55: {  	_ =	shalt  }
0x56: {  	_ =	shalt  }
0x57: {  	_ =	shalt  }
0x58: {  	_ =	shalt  }
0x59: {  	_ =	shalt  }
0x5a: {  	_ =	shalt  }
0x5b: {  	_ =	shalt  }
0x5c: {  	_ =	shalt  }
0x5d: {  	_ =	shalt  }
0x5e: {  	_ =	shalt  }
0x5f: {  	_ =	shalt  }
0x60: {  	_ =	shalt  }
0x61: {  	_ =	shalt  }
0x62: {  	_ =	shalt  }
0x63: {  	_ =	shalt  }
0x64: {  	_ =	shalt  }
0x65: {  	_ =	shalt  }
0x66: {  	_ =	shalt  }
0x67: {  	_ =	shalt  }
0x68: {  	_ =	shalt  }
0x69: {  	_ =	shalt  }
0x6a: {  	_ =	shalt  }
0x6b: {  	_ =	shalt  }
0x6c: {  	_ =	shalt  }
0x6d: {  	_ =	shalt  }
0x6e: {  	_ =	shalt  }
0x6f: {  	_ =	shalt  }
0x70: {  	_ =	shalt  }
0x71: {  	_ =	shalt  }
0x72: {  	_ =	shalt  }
0x73: {  	_ =	shalt  }
0x74: {  	_ =	shalt  }
0x75: {  	_ =	shalt  }
0x76: {  	_ =	shalt  }
0x77: {  	_ =	shalt  }
0x78: {  	_ =	shalt  }
0x79: {  	_ =	shalt  }
0x7a: {  	_ =	shalt  }
0x7b: {  	_ =	shalt  }
0x7c: {  	_ =	shalt  }
0x7d: {  	_ =	shalt  }
0x7e: {  	_ =	shalt  }
0x7f: {  	_ =	shalt  }
0x80: {  	_ =	shalt  }
0x81: {  	_ =	shalt  }
0x82: {  	_ =	shalt  }
0x83: {  	_ =	shalt  }
0x84: {  	_ =	shalt  }
0x85: {  	_ =	shalt  }
0x86: {  	_ =	shalt  }
0x87: {  	_ =	shalt  }
.Lfunc_end0:
.L_simem_size_0:
called_computation.1_lowered:
.L_overlay_start_0:
0x88: {  	s2 =	sld [smem:$0x3FD9]  }
0x89: {  	s3 =	sld [smem:$0x3FFE];
	_ =	sdelay $0x1  }
0x8a: {  	s1 =	srdreg.scid  }
0x8b: {  	s0 =	sand.u32 $0x1, s1  }
0x8c: {  	s16 =	sshll.u32 s0, $0xA;
	s2 =	sadd.s32 s3, s2  }
0x8d: {  	s2 =	sadd.s32 s2, s16  }
0x8e: {  	[smem:$0x3FAF] =	sst s2  }
0x8f: {  	_ = 	snop  }
0x90: {  	(tm) =	ssettm $0x1  }
0x91: {  	s17 =	sld [smem:$0x3FFB];
	_ =	sdelay $0x3  }
0x92: {  	_ =	strace s17  }
0x93: {  	s2 =	sld [smem:$0x3FFC];
	_ =	sdelay $0x3  }
0x94: {  	_ =	strace s2  }
0x95: {  	s2 =	sld [smem:$0x3FFD];
	_ =	sdelay $0x3  }
0x96: {  	_ =	strace s2  }
0x97: {  	_ =	strace $0x8FFFFFFF  }
0x98: {  	s18 =	sld [smem:$0x3FDB];
	_ =	sdelay $0x1  }
0x99: {  	s19 =	simm.s32 $_scs_section_size  }
0x9a: {  	s4 =	simm.s32 $_size__tile_overlayer_lowered;
	s5 =	simm.s32 $_tile_overlayer_lowered  }
0x9b: {  	s22 =	simm.s32 $0x1BFF;
	s21 =	sshll.u32 s5, $0x1;
	s2 =	sadd.s32 s19, s18  }
0x9c: {  	s6 =	simm.s32 $0x0;
	s20 =	sshll.u32 s4, $0x1;
	s4 =	sadd.s32 s21, s2  }
0x9d: {  	[timem:s6], [sflag:s22] =	dma.local [hbm:s4], s20  }
0x9e: {  	_ =	swait.ge [sflag:s22], s20  }
0x9f: {  	s3 =	ssub.s32 $0x0, s20;
	[sflag:s22] =	ssyncset.done $0x0  }
0xa0: {  	[sflag:s22] =	ssyncadd.s32 s3;
	_ =	sdelay $0x1  }
0xa1: {  	s23 =	simm.s32 $0x1B8B  }
0xa2: {  	_ =	swait.ge [sflag:s23], $0x1  }
0xa3: {  	[sflag:s23] =	ssyncset.done $0x0  }
0xa4: {  	s25 =	simm.s32 $0x1B8E;
	s24 =	sld [smem:$0x3FFE];
	[sflag:s23] =	ssyncadd.s32 $0xFFFFFFFF  }
0xa5: {  	s26 =	simm.s32 $execute0_lowered;
	[smem:$0x3FD2] =	sst s25  }
0xa6: {  	s4 =	sshll.u32 s26, $0x1;
	_ =	strace $0x80000049;
	[dreg:$0x1] =	wrdreg $0xFFFFFFFF  }
0xa7: {  	s28 =	simm.s32 $_size_execute0_lowered;
	s2 =	sadd.s32 s2, s4;
	[dreg:$0x0] =	wrdreg $0x0  }
0xa8: {  	s4 =	sshll.u32 s28, $0x1;
	[dreg:$0x2] =	wrdreg s2  }
0xa9: {  	[dreg:$0x3] =	wrdreg s4  }
0xaa: {  	[dreg:$0x4] =	wrdreg $0xC0  }
0xab: {  	_ =	task [dreg:s6], $0x5FFFF  }
0xac: {  	[dreg:$0x1] =	wrdreg $0xFFFFFFFF  }
0xad: {  	[dreg:$0x0] =	wrdreg $0x60  }
0xae: {  	[dreg:$0x2] =	wrdreg s24  }
0xaf: {  	[dreg:$0x3] =	wrdreg $0xA8000  }
0xb0: {  	[dreg:$0x4] =	wrdreg $0x9  }
0xb1: {  	_ =	task.clear_ibuf [dreg:s6], $0x5FFFF;
	_ =	strace $0x90000049  }
0xb2: {  	s29 =	simm.s32 $0x9;
	_ =	strace $0x8000004B  }
0xb3: {  	_ =	swait.ge [sflag:s29], $0x1  }
0xb4: {  	[sflag:s29] =	ssyncadd.s32 $0xFFFFFFFF  }
0xb5: {  	_ =	strace $0x9000004B  }
0xb6: {  	_ =	sfence  }
0xb7: {  	s30 =	sld [smem:$0x0];
	_ =	sdelay $0x2  }
0xb8: {  	s31 =	sshll.u32 s1, $0xD;
	s1 =	sshrl.u32 s1, $0x2  }
0xb9: {  	s3 =	sand.u32 $0x4000, s31;
	s1 =	sadd.s32 s1, s30  }
0xba: {  	s0 =	sor.u32 s3, s0;
	s1 =	sshll.u32 s1, $0x11  }
0xbb: {  	s0 =	sor.u32 s1, s0  }
0xbc: {  	s0 =	sadd.s32 $0x8F2B, s0  }
0xbd: {  	[sflag:s0] =	ssyncadd.remote.s32 $0x1  }
0xbe: {  	_ =	sfence.sel $0xFFFF  }
0xbf: {  	[dreg:$0x0] =	wrdreg $0xFFFFFFFF;
	(pc) =	sbr.abs _section_cstart, $3  }
0xc0: {  	[dreg:$0x1] =	wrdreg $0xFFFFFFFF  }
0xc1: {  	_ =	task.clear_ibuf [dreg:s6], $0x2FFFF;
	_ =	strace $0x9FFFFFFF  }
0xc2: {  	(tm) =	ssettm $0x7FFFFFFF  }
0xc3: {  	_ =	shalt  }
tec
execute0_lowered:
.L_overlay_start_1:
0x0: {  	(tag) =	ssettag $0x1  }
0x1: {  	s5 =	rddreg [dreg:$0x0]  }
0x2: {  	s2 =	rddreg [dreg:$0x1]  }
0x3: {  	s0 =	rddreg [dreg:$0x2]  }
0x4: {  	s1 =	stileid.u32;
	s4 =	srdreg.scid;
	s3 =	simm.s32 $0x0  }
0x5: {  	s14 =	simm.s32 $0x78;
	s15 =	simm.s32 $0x3000;
	s16 =	simm.s32 $0x80  }
0x6: {  	s17 =	simm.s32 $0x6C00;
	s20 =	simm.s32 $0x1;
	s21 =	simm.s32 $0x2  }
0x7: {  	s22 =	simm.s32 $0x2C00;
	s23 =	simm.s32 $0x2C80;
	s24 =	simm.s32 $0x0  }
0x8: {  	s6 =	smul.u32 $0x2800, s1;
	s7 =	sand.u32 $0x1, s4;
	[smem:$0x7FF] =	sst s3  }
0x9: {  	s9 =	smul.u32 $0x14000, s1;
	s4 =	sadd.s32 $0x45600, s5;
	s10 =	sadd.s32 $0x5600, s5  }
0xa: {  	s11 =	sadd.s32 $0x11600, s5;
	s26 =	sshll.u32 s1, $0x1;
	s28 =	smul.u32 $0x50000, s1  }
0xb: {  	s18 =	sshll.u32 s1, $0x6;
	s8 =	smul.u32 $0x140000, s7;
	_ =	strace $0x8000004A  }
0xc: {  	s12 =	ssub.s32 $0x2, s7;
	s7 =	sor.u32 s7, s26;
	s18 =	sor.u32 $0x1C03, s18  }
0xd: {  	s6 =	sadd.s32 s6, s5;
	s13 =	sshrl.u32 s12, $0x1;
	s7 =	smul.u32 $0x3000, s7  }
0xe: {  	s29 =	sshrl.u32 s28, $0x2;
	s8 =	sadd.s32 s9, s8;
	s12 =	ssub.s32 s12, s13  }
0xf: {  	s19 =	sadd.s32 s29, s2;
	s13 =	simm.s32 $0x1800;
	s8 =	sshrl.u32 s8, $0x3  }
0x10: {  	s30 =	sshrl.u32 s7, $0x3;
	s7 =	smax.u32 s12, $0x1;
	s12 =	simm.s32 $0x3  }
0x11: {  	s19 =	sshrl.u32 s19, $0x3;
	s8 =	sadd.s32 s8, s5;
	s5 =	sadd.s32 $0x1D600, s6  }
0x12: {  	s31 =	sadd.s32 $0x300, s30;
	s9 =	sadd.s32 s11, s30;
	s6 =	sadd.s32 $0x6C800, s8  }
0x13: {  	s8 =	sadd.s32 s10, s30;
	s10 =	sadd.s32 s10, s31;
	s11 =	sadd.s32 s11, s31  }
.LBB2_1:
0x14: {  	[tilespmem:s3], [sflag:$0x3] =	stream.linear.gather [hbm4b:s8+s3], $0x1500, $0x38;
	[tilespmem:$0x1E800] =	vst v63  }
0x15: {  	_ =	swait.ge [sflag:s12], $0x1500  }
0x16: {  	[sflag:s12] =	ssyncset.done $0x0  }
0x17: {  	[sflag:s12] =	ssyncadd.s32 $0xFFFFEB00  }
0x18: {  	[tilespmem:s13], [sflag:$0x3] =	stream.linear.gather [hbm4b:s9+s3], $0x1500, $0x38;
	[tilespmem:$0x1E800] =	vst v63  }
0x19: {  	_ =	swait.ge [sflag:s12], $0x1500  }
0x1a: {  	[sflag:s12] =	ssyncset.done $0x0  }
0x1b: {  	[sflag:s12] =	ssyncadd.s32 $0xFFFFEB00  }
0x1c: {  	[tilespmem:s15], [sflag:$0x1] =	stream.indirect.gather [hbm4b:s4+s14], $0x80, s3, s14, $0xb8;
	[tilespmem:$0x1E800] =	vst v63  }
0x1d: {  	_ = 	snop  }
0x1e: {  	[tilespmem:s17], [sflag:$0x2] =	stream.indirect.gather [hbm4b:s4+s14], $0x80, s16, s14, $0xb8;
	[tilespmem:$0x1E800] =	vst v63  }
0x1f: {  	[spmem:s19], [sflag:s18] =	dma.local [hbm:s5], $0x2800  }
0x20: {  	_ =	swait.ge [sflag:s12], $0x2800  }
0x21: {  	[sflag:s12] =	ssyncset.done $0x0  }
0x22: {  	[sflag:s12] =	ssyncadd.s32 $0xFFFFD800  }
0x23: {  	[bflag:$0x0] =	sbarrier.arrive $0xFFFF  }
0x24: {  	_ =	swait.ge [sflag:s20], $0x3C00  }
0x25: {  	[sflag:s20] =	ssyncset.done $0x0  }
0x26: {  	s25 =	simm.s32 $0x1800;
	[sflag:s20] =	ssyncadd.s32 $0xFFFFC400  }
0x27: {  	[spmem:s2] =	stream.indirect.scatter.add.f32 [tilespmem:s15], [sflag:$0x3], $0x80, s25, s14, $0xb8;
	[tilespmem:$0x1E800] =	vst v63  }
0x28: {  	_ =	swait.ge [sflag:s12], $0x3C00  }
0x29: {  	[sflag:s12] =	ssyncset.done $0x0  }
0x2a: {  	s30 =	simm.s32 $0x100;
	[sflag:s12] =	ssyncadd.s32 $0xFFFFC400  }
0x2b: {  	[tilespmem:s15], [sflag:$0x1] =	stream.indirect.gather [hbm4b:s4+s14], $0x80, s30, s14, $0xb8;
	[tilespmem:$0x1E800] =	vst v63  }
0x2c: {  	_ =	swait.ge [sflag:s21], $0x3C00  }
0x2d: {  	[sflag:s21] =	ssyncset.done $0x0  }
0x2e: {  	s31 =	simm.s32 $0x1880;
	[sflag:s21] =	ssyncadd.s32 $0xFFFFC400  }
0x2f: {  	[spmem:s2] =	stream.indirect.scatter.add.f32 [tilespmem:s17], [sflag:$0x3], $0x80, s31, s14, $0xb8;
	[tilespmem:$0x1E800] =	vst v63  }
0x30: {  	_ =	swait.ge [sflag:s12], $0x3C00  }
0x31: {  	[sflag:s12] =	ssyncset.done $0x0  }
0x32: {  	s26 =	simm.s32 $0x180;
	s25 =	simm.s32 $0x400;
	[sflag:s12] =	ssyncadd.s32 $0xFFFFC400  }
.LBB2_2:
0x33: {  	[tilespmem:s17], [sflag:$0x2] =	stream.indirect.gather [hbm4b:s4+s14], $0x80, s26, s14, $0xb8;
	[tilespmem:$0x1E800] =	vst v63  }
0x34: {  	s26 =	smov.u32 s25  }
0x35: {  	p0 =	sne.s32 s25, $0x4C00;
	s25 =	sadd.s32 $0x400, s25;
	_ =	swait.ge [sflag:s20], $0x3C00  }
0x36: {  	s26 =	sshra.s32 s26, $0x2;
	[sflag:s20] =	ssyncset.done $0x0  }
0x37: {  	s28 =	sadd.s32 $0x1800, s26;
	[sflag:s20] =	ssyncadd.s32 $0xFFFFC400  }
0x38: {  	[spmem:s2] =	stream.indirect.scatter.add.f32 [tilespmem:s15], [sflag:$0x3], $0x80, s28, s14, $0xb8;
	[tilespmem:$0x1E800] =	vst v63  }
0x39: {  	_ =	swait.ge [sflag:s12], $0x3C00  }
0x3a: {  	[sflag:s12] =	ssyncset.done $0x0  }
0x3b: {  	s28 =	sadd.s32 $0x100, s26;
	[sflag:s12] =	ssyncadd.s32 $0xFFFFC400  }
0x3c: {  	[tilespmem:s15], [sflag:$0x1] =	stream.indirect.gather [hbm4b:s4+s14], $0x80, s28, s14, $0xb8;
	[tilespmem:$0x1E800] =	vst v63  }
0x3d: {  	_ =	swait.ge [sflag:s21], $0x3C00  }
0x3e: {  	[sflag:s21] =	ssyncset.done $0x0  }
.Ltmp0:
0x3f: {  	s28 =	sadd.s32 $0x1880, s26;
	[sflag:s21] =	ssyncadd.s32 $0xFFFFC400;
	(pc) =	sbr.rel @p0 .LBB2_2-.Ltmp0, $4  }
0x40: {  	[spmem:s2] =	stream.indirect.scatter.add.f32 [tilespmem:s17], [sflag:$0x3], $0x80, s28, s14, $0xb8;
	[tilespmem:$0x1E800] =	vst v63  }
0x41: {  	_ =	swait.ge [sflag:s12], $0x3C00  }
0x42: {  	[sflag:s12] =	ssyncset.done $0x0  }
0x43: {  	s26 =	sadd.s32 $0x180, s26;
	[sflag:s12] =	ssyncadd.s32 $0xFFFFC400  }
0x44: {  	[tilespmem:s17], [sflag:$0x2] =	stream.indirect.gather [hbm4b:s4+s14], $0x80, s26, s14, $0xb8;
	[tilespmem:$0x1E800] =	vst v63  }
0x45: {  	_ =	swait.ge [sflag:s20], $0x3C00  }
0x46: {  	[sflag:s20] =	ssyncset.done $0x0  }
0x47: {  	[sflag:s20] =	ssyncadd.s32 $0xFFFFC400  }
0x48: {  	[spmem:s2] =	stream.indirect.scatter.add.f32 [tilespmem:s15], [sflag:$0x3], $0x80, s22, s14, $0xb8;
	[tilespmem:$0x1E800] =	vst v63  }
0x49: {  	_ =	swait.ge [sflag:s12], $0x3C00  }
0x4a: {  	[sflag:s12] =	ssyncset.done $0x0  }
0x4b: {  	[sflag:s12] =	ssyncadd.s32 $0xFFFFC400  }
0x4c: {  	_ =	swait.ge [sflag:s21], $0x3C00  }
0x4d: {  	[sflag:s21] =	ssyncset.done $0x0  }
0x4e: {  	[sflag:s21] =	ssyncadd.s32 $0xFFFFC400  }
0x4f: {  	[spmem:s2] =	stream.indirect.scatter.add.f32 [tilespmem:s17], [sflag:$0x3], $0x80, s23, s14, $0xb8;
	[tilespmem:$0x1E800] =	vst v63  }
0x50: {  	_ =	swait.ge [sflag:s12], $0x3C00  }
0x51: {  	[sflag:s12] =	ssyncset.done $0x0  }
0x52: {  	s25 =	simm.s32 $0x0;
	[sflag:s12] =	ssyncadd.s32 $0xFFFFC400  }
0x53: {  	[tilespmem:s25], [sflag:$0x3] =	stream.linear.gather [hbm4b:s10+s25], $0x1500, $0x38;
	[tilespmem:$0x1E800] =	vst v63  }
0x54: {  	_ =	swait.ge [sflag:s12], $0x1500  }
0x55: {  	[sflag:s12] =	ssyncset.done $0x0  }
0x56: {  	[sflag:s12] =	ssyncadd.s32 $0xFFFFEB00  }
0x57: {  	[tilespmem:s13], [sflag:$0x3] =	stream.linear.gather [hbm4b:s11+s25], $0x1500, $0x38;
	[tilespmem:$0x1E800] =	vst v63  }
0x58: {  	_ =	swait.ge [sflag:s12], $0x1500  }
0x59: {  	[sflag:s12] =	ssyncset.done $0x0  }
0x5a: {  	[sflag:s12] =	ssyncadd.s32 $0xFFFFEB00  }
0x5b: {  	[tilespmem:s15], [sflag:$0x1] =	stream.indirect.gather [hbm4b:s4+s14], $0x80, s25, s14, $0xb8;
	[tilespmem:$0x1E800] =	vst v63  }
0x5c: {  	_ = 	snop  }
0x5d: {  	[tilespmem:s17], [sflag:$0x2] =	stream.indirect.gather [hbm4b:s4+s14], $0x80, s16, s14, $0xb8;
	[tilespmem:$0x1E800] =	vst v63  }
0x5e: {  	_ =	swait.ge [sflag:s20], $0x3C00  }
0x5f: {  	[sflag:s20] =	ssyncset.done $0x0  }
0x60: {  	s29 =	simm.s32 $0x1800;
	[sflag:s20] =	ssyncadd.s32 $0xFFFFC400  }
0x61: {  	[spmem:s2] =	stream.indirect.scatter.add.f32 [tilespmem:s15], [sflag:$0x3], $0x80, s29, s14, $0xb8;
	[tilespmem:$0x1E800] =	vst v63  }
0x62: {  	_ =	swait.ge [sflag:s12], $0x3C00  }
0x63: {  	[sflag:s12] =	ssyncset.done $0x0  }
0x64: {  	s30 =	simm.s32 $0x100;
	[sflag:s12] =	ssyncadd.s32 $0xFFFFC400  }
0x65: {  	[tilespmem:s15], [sflag:$0x1] =	stream.indirect.gather [hbm4b:s4+s14], $0x80, s30, s14, $0xb8;
	[tilespmem:$0x1E800] =	vst v63  }
0x66: {  	_ =	swait.ge [sflag:s21], $0x3C00  }
0x67: {  	[sflag:s21] =	ssyncset.done $0x0  }
0x68: {  	s31 =	simm.s32 $0x1880;
	[sflag:s21] =	ssyncadd.s32 $0xFFFFC400  }
0x69: {  	[spmem:s2] =	stream.indirect.scatter.add.f32 [tilespmem:s17], [sflag:$0x3], $0x80, s31, s14, $0xb8;
	[tilespmem:$0x1E800] =	vst v63  }
0x6a: {  	_ =	swait.ge [sflag:s12], $0x3C00  }
0x6b: {  	[sflag:s12] =	ssyncset.done $0x0  }
0x6c: {  	s26 =	simm.s32 $0x180;
	s25 =	simm.s32 $0x400;
	[sflag:s12] =	ssyncadd.s32 $0xFFFFC400  }
.LBB2_4:
0x6d: {  	[tilespmem:s17], [sflag:$0x2] =	stream.indirect.gather [hbm4b:s4+s14], $0x80, s26, s14, $0xb8;
	[tilespmem:$0x1E800] =	vst v63  }
0x6e: {  	s26 =	smov.u32 s25  }
0x6f: {  	p0 =	sne.s32 s25, $0x4C00;
	s25 =	sadd.s32 $0x400, s25;
	_ =	swait.ge [sflag:s20], $0x3C00  }
0x70: {  	s26 =	sshra.s32 s26, $0x2;
	[sflag:s20] =	ssyncset.done $0x0  }
0x71: {  	s28 =	sadd.s32 $0x1800, s26;
	[sflag:s20] =	ssyncadd.s32 $0xFFFFC400  }
0x72: {  	[spmem:s2] =	stream.indirect.scatter.add.f32 [tilespmem:s15], [sflag:$0x3], $0x80, s28, s14, $0xb8;
	[tilespmem:$0x1E800] =	vst v63  }
0x73: {  	_ =	swait.ge [sflag:s12], $0x3C00  }
0x74: {  	[sflag:s12] =	ssyncset.done $0x0  }
0x75: {  	s28 =	sadd.s32 $0x100, s26;
	[sflag:s12] =	ssyncadd.s32 $0xFFFFC400  }
0x76: {  	[tilespmem:s15], [sflag:$0x1] =	stream.indirect.gather [hbm4b:s4+s14], $0x80, s28, s14, $0xb8;
	[tilespmem:$0x1E800] =	vst v63  }
0x77: {  	_ =	swait.ge [sflag:s21], $0x3C00  }
0x78: {  	[sflag:s21] =	ssyncset.done $0x0  }
.Ltmp1:
0x79: {  	s28 =	sadd.s32 $0x1880, s26;
	[sflag:s21] =	ssyncadd.s32 $0xFFFFC400;
	(pc) =	sbr.rel @p0 .LBB2_4-.Ltmp1, $4  }
0x7a: {  	[spmem:s2] =	stream.indirect.scatter.add.f32 [tilespmem:s17], [sflag:$0x3], $0x80, s28, s14, $0xb8;
	[tilespmem:$0x1E800] =	vst v63  }
0x7b: {  	_ =	swait.ge [sflag:s12], $0x3C00  }
0x7c: {  	[sflag:s12] =	ssyncset.done $0x0  }
0x7d: {  	s26 =	sadd.s32 $0x180, s26;
	[sflag:s12] =	ssyncadd.s32 $0xFFFFC400  }
0x7e: {  	[tilespmem:s17], [sflag:$0x2] =	stream.indirect.gather [hbm4b:s4+s14], $0x80, s26, s14, $0xb8;
	[tilespmem:$0x1E800] =	vst v63  }
0x7f: {  	_ =	swait.ge [sflag:s20], $0x3C00  }
0x80: {  	[sflag:s20] =	ssyncset.done $0x0  }
0x81: {  	[sflag:s20] =	ssyncadd.s32 $0xFFFFC400  }
0x82: {  	[spmem:s2] =	stream.indirect.scatter.add.f32 [tilespmem:s15], [sflag:$0x3], $0x80, s22, s14, $0xb8;
	[tilespmem:$0x1E800] =	vst v63  }
0x83: {  	_ =	swait.ge [sflag:s12], $0x3C00  }
0x84: {  	[sflag:s12] =	ssyncset.done $0x0  }
0x85: {  	[sflag:s12] =	ssyncadd.s32 $0xFFFFC400  }
0x86: {  	_ =	swait.ge [sflag:s21], $0x3C00  }
0x87: {  	[sflag:s21] =	ssyncset.done $0x0  }
0x88: {  	[sflag:s21] =	ssyncadd.s32 $0xFFFFC400  }
0x89: {  	[spmem:s2] =	stream.indirect.scatter.add.f32 [tilespmem:s17], [sflag:$0x3], $0x80, s23, s14, $0xb8;
	[tilespmem:$0x1E800] =	vst v63  }
0x8a: {  	_ =	swait.ge [sflag:s12], $0x3C00  }
0x8b: {  	s24 =	sadd.s32 $0x1, s24;
	[sflag:s12] =	ssyncset.done $0x0  }
0x8c: {  	p0 =	sne.s32 s24, s7;
	[sflag:s12] =	ssyncadd.s32 $0xFFFFC400  }
.Ltmp2:
0x8d: {  	[bflag:$0x0] =	sbarrier.arrive $0xFFFF;
	(pc) =	sbr.rel @p0 .LBB2_1-.Ltmp2, $4  }
0x8e: {  	[hbm:s6], [sflag:s18] =	dma.local [spmem:s19], $0x2800  }
0x8f: {  	_ =	swait.ge [sflag:s12], $0x2800  }
0x90: {  	[sflag:s12] =	ssyncset.done $0x0  }
0x91: {  	[sflag:s12] =	ssyncadd.s32 $0xFFFFD800  }
0x92: {  	_ =	sfence.sel $0x180000  }
0x93: {  	[bflag:$0x0] =	sbarrier.arrive $0xFFFF  }
0x94: {  	p0 =	sne.s32 s1, $0x0;
	_ =	strace $0x9000004A  }
0x95: {  	s0 =	sadd.s32 @!p0 $0x100000, s0;
	[bflag:$0x2] =	sbarrier.arrive $0xFFFF  }
0x96: {  	[sflag:s0] =	ssyncadd.tile.s32 @!p0 $0x1;
	_ =	shalt  }
.Lfunc_end2:
_tile_overlayer_lowered:
.L_overlay_start_2:
0x97: {  	(tag) =	ssettag $0x2  }
0x98: {  	s0 =	rddreg [dreg:$0x0];
	s2 =	stileid.u32  }
0x99: {  	s1 =	rddreg [dreg:$0x1];
	p0 =	sne.s32 s2, $0x0  }
0x9a: {  	s3 =	rddreg [dreg:$0x2];
	[bflag:$0x3] =	sbarrier.arrive $0xFFFF;
	s2 =	simm.s32 @!p0 $0x1C03  }
0x9b: {  	[timem:s3], [sflag:s2] =	dma.local @!p0 [hbm:s0], s1  }
0x9c: {  	s0 =	simm.s32 @!p0 $0x3  }
0x9d: {  	_ =	swait.ge @!p0 [sflag:s0], s1  }
0x9e: {  	s1 =	ssub.s32 @!p0 $0x0, s1;
	[sflag:s0] =	ssyncset.done @!p0 $0x0  }
0x9f: {  	[sflag:s0] =	ssyncadd.s32 @!p0 s1  }
0xa0: {  	[bflag:$0x3] =	sbarrier.arrive $0xFFFF  }
0xa1: {  	_ =	shalt  }

// kernel: kernel.15.cloned.1.call-start
scs
__scs_entry_jumppad:
0x0: {  	(pc) =	sbr.rel $0x88, $3  }
0x1: {  	(tag) =	ssettag $0x0;
	lr =	simm.s32 $0x1  }
0x2: {  	[smem:$0x3F88] =	sst lr;
	_ =	strace $0xD0000000  }
0x3: {  	_ = 	snop  }
0x4: {  	_ = 	snop  }
0x5: {  	_ = 	snop  }
0x6: {  	_ = 	snop  }
0x7: {  	_ = 	snop  }
__scs_overlays_trampoline_lowered:
0x8: {  	[smem:$0x3F97] =	sst s0  }
0x9: {  	[smem:$0x3F98] =	sst s1  }
0xa: {  	[smem:$0x3F99] =	sst s2  }
0xb: {  	[smem:$0x3F9A] =	sst s3  }
0xc: {  	[smem:$0x3F9B] =	sst s4  }
0xd: {  	[smem:$0x3F9C] =	sst s5  }
0xe: {  	[smem:$0x3F9D] =	sst s6  }
0xf: {  	[smem:$0x3F9E] =	sst s7  }
0x10: {  	[smem:$0x3F9F] =	sst s8  }
0x11: {  	[smem:$0x3FA0] =	sst s9;
	s0 =	simm.s32 @!p0 $0x0  }
0x12: {  	s1 =	sld [smem:$0x3F86];
	s0 =	simm.s32 @p0 $0x1  }
0x13: {  	[smem:$0x3FA1] =	sst s0;
	s0 =	simm.s32 @!p1 $0x0  }
0x14: {  	s2 =	sld [smem:$0x3F85];
	s0 =	simm.s32 @p1 $0x1  }
0x15: {  	[smem:$0x3FA2] =	sst s0;
	s0 =	simm.s32 @!p2 $0x0  }
0x16: {  	s3 =	sld [smem:$0x3FDB];
	s0 =	simm.s32 @p2 $0x1  }
0x17: {  	s4 =	simm.s32 $0x1BF5;
	[smem:$0x3FA4] =	sst s0  }
0x18: {  	s0 =	sld [smem:$0x3F87];
	_ =	swait.ge [sflag:s4], $0x0  }
0x19: {  	s7 =	sld [smem:$0x3F88]  }
0x1a: {  	s8 =	sadd.s32 $0xFFFFE003, lr  }
0x1b: {  	s9 =	sadd.s32 $0xFFFFFEF7, lr;
	s5 =	simm.s32 $0xFFFFFFFF;
	p2 =	slt.u32 s8, $0xFFFFF086  }
0x1c: {  	p1 =	slt.u32 s9, $0xF7A;
	s5 =	simm.s32 @!p2 $0x0  }
0x1d: {  	s5 =	simm.s32 @p1 $0x1;
	p0 =	seq.s32 s7, s2  }
0x1e: {  	s7 =	smul.u32 @!p0 $0xF7A, s2;
	p2 =	seq.s32 @!p0 s5, $0x0  }
0x1f: {  	s9 =	smul.u32 $0xF7A, s1;
	s8 =	simm.s32 @!p0 $0x1BF5;
	p2 =	por !p2, p0  }
0x20: {  	[sflag:s8] =	ssyncset.s32 @!p0 $0xFFFFF086;
	s6 =	sadd.s32 @!p0 s3, s7;
	s7 =	simm.s32 @!p0 $0x108  }
0x21: {  	s3 =	sadd.s32 s3, s9;
	s6 =	sadd.s32 @!p0 $0x88, s6;
	s7 =	simm.s32 @p2 $0x1082  }
0x22: {  	[simem:s7], [sflag:s8] =	dma.local @!p0 [hbm:s6], $0xF7A  }
0x23: {  	s9 =	sor.u32 $0xD0000000, s2;
	s6 =	simm.s32 $0x108;
	_ =	swait.ge @!p0 [sflag:s8], $0x0  }
0x24: {  	s3 =	sadd.s32 $0x88, s3;
	s6 =	simm.s32 @!p1 $0x1082;
	[sflag:s4] =	ssyncset.s32 $0xFFFFF086  }
0x25: {  	[simem:s6], [sflag:s4] =	dma.local [hbm:s3], $0xF7A  }
0x26: {  	[smem:$0x3F88] =	sst s1;
	(tag) =	ssettag s2;
	_ =	strace s9  }
0x27: {  	s1 =	sld [smem:$0x3F98]  }
0x28: {  	s2 =	sld [smem:$0x3F99]  }
0x29: {  	s4 =	sld [smem:$0x3F9B]  }
0x2a: {  	p0 =	seq.s32 s5, $0x0;
	s5 =	sld [smem:$0x3F9C]  }
0x2b: {  	s6 =	sld [smem:$0x3F9D]  }
0x2c: {  	s7 =	sld [smem:$0x3F9E]  }
0x2d: {  	s3 =	simm.s32 $0x108;
	s8 =	sld [smem:$0x3F9F]  }
0x2e: {  	s3 =	simm.s32 @!p0 $0x1082;
	s9 =	sld [smem:$0x3FA0]  }
0x2f: {  	lr =	sadd.s32 s0, s3;
	s0 =	sld [smem:$0x3F97]  }
0x30: {  	s3 =	sld [smem:$0x3F9A]  }
0x31: {  	[smem:$0x3FA3] =	sst s10  }
0x32: {  	s10 =	sld [smem:$0x3FA1];
	_ =	sdelay $0x3  }
0x33: {  	p0 =	seq.s32 s10, $0x1;
	s10 =	sld [smem:$0x3FA3];
	_ =	sdelay $0x3  }
0x34: {  	[smem:$0x3FA3] =	sst s10  }
0x35: {  	s10 =	sld [smem:$0x3FA2];
	_ =	sdelay $0x3  }
0x36: {  	p1 =	seq.s32 s10, $0x1;
	s10 =	sld [smem:$0x3FA3];
	_ =	sdelay $0x3  }
0x37: {  	[smem:$0x3FA3] =	sst s10  }
0x38: {  	s10 =	sld [smem:$0x3FA4]  }
0x39: {  	_ = 	snop;
	(pc) =	sbr.ind lr, $3  }
0x3a: {  	_ = 	snop  }
0x3b: {  	_ = 	snop  }
0x3c: {  	p2 =	seq.s32 s10, $0x1;
	s10 =	sld [smem:$0x3FA3]  }
0x3d: {  	_ =	shalt  }
0x3e: {  	_ =	shalt  }
0x3f: {  	_ =	shalt  }
0x40: {  	_ =	shalt  }
0x41: {  	_ =	shalt  }
0x42: {  	_ =	shalt  }
0x43: {  	_ =	shalt  }
0x44: {  	_ =	shalt  }
0x45: {  	_ =	shalt  }
0x46: {  	_ =	shalt  }
0x47: {  	_ =	shalt  }
0x48: {  	_ =	shalt  }
0x49: {  	_ =	shalt  }
0x4a: {  	_ =	shalt  }
0x4b: {  	_ =	shalt  }
0x4c: {  	_ =	shalt  }
0x4d: {  	_ =	shalt  }
0x4e: {  	_ =	shalt  }
0x4f: {  	_ =	shalt  }
0x50: {  	_ =	shalt  }
0x51: {  	_ =	shalt  }
0x52: {  	_ =	shalt  }
0x53: {  	_ =	shalt  }
0x54: {  	_ =	shalt  }
0x55: {  	_ =	shalt  }
0x56: {  	_ =	shalt  }
0x57: {  	_ =	shalt  }
0x58: {  	_ =	shalt  }
0x59: {  	_ =	shalt  }
0x5a: {  	_ =	shalt  }
0x5b: {  	_ =	shalt  }
0x5c: {  	_ =	shalt  }
0x5d: {  	_ =	shalt  }
0x5e: {  	_ =	shalt  }
0x5f: {  	_ =	shalt  }
0x60: {  	_ =	shalt  }
0x61: {  	_ =	shalt  }
0x62: {  	_ =	shalt  }
0x63: {  	_ =	shalt  }
0x64: {  	_ =	shalt  }
0x65: {  	_ =	shalt  }
0x66: {  	_ =	shalt  }
0x67: {  	_ =	shalt  }
0x68: {  	_ =	shalt  }
0x69: {  	_ =	shalt  }
0x6a: {  	_ =	shalt  }
0x6b: {  	_ =	shalt  }
0x6c: {  	_ =	shalt  }
0x6d: {  	_ =	shalt  }
0x6e: {  	_ =	shalt  }
0x6f: {  	_ =	shalt  }
0x70: {  	_ =	shalt  }
0x71: {  	_ =	shalt  }
0x72: {  	_ =	shalt  }
0x73: {  	_ =	shalt  }
0x74: {  	_ =	shalt  }
0x75: {  	_ =	shalt  }
0x76: {  	_ =	shalt  }
0x77: {  	_ =	shalt  }
0x78: {  	_ =	shalt  }
0x79: {  	_ =	shalt  }
0x7a: {  	_ =	shalt  }
0x7b: {  	_ =	shalt  }
0x7c: {  	_ =	shalt  }
0x7d: {  	_ =	shalt  }
0x7e: {  	_ =	shalt  }
0x7f: {  	_ =	shalt  }
0x80: {  	_ =	shalt  }
0x81: {  	_ =	shalt  }
0x82: {  	_ =	shalt  }
0x83: {  	_ =	shalt  }
0x84: {  	_ =	shalt  }
0x85: {  	_ =	shalt  }
0x86: {  	_ =	shalt  }
0x87: {  	_ =	shalt  }
.Lfunc_end0:
.L_simem_size_0:
called_computation.2_lowered:
.L_overlay_start_0:
0x88: {  	s2 =	sld [smem:$0x3FD9]  }
0x89: {  	s3 =	sld [smem:$0x3FFE];
	_ =	sdelay $0x1  }
0x8a: {  	s1 =	srdreg.scid  }
0x8b: {  	s0 =	sand.u32 $0x1, s1  }
0x8c: {  	s16 =	sshll.u32 s0, $0xA;
	s2 =	sadd.s32 s3, s2  }
0x8d: {  	s2 =	sadd.s32 s2, s16  }
0x8e: {  	[smem:$0x3FAF] =	sst s2  }
0x8f: {  	_ = 	snop  }
0x90: {  	(tm) =	ssettm $0x1  }
0x91: {  	s17 =	sld [smem:$0x3FFB];
	_ =	sdelay $0x3  }
0x92: {  	_ =	strace s17  }
0x93: {  	s2 =	sld [smem:$0x3FFC];
	_ =	sdelay $0x3  }
0x94: {  	_ =	strace s2  }
0x95: {  	s2 =	sld [smem:$0x3FFD];
	_ =	sdelay $0x3  }
0x96: {  	_ =	strace s2  }
0x97: {  	_ =	strace $0x8FFFFFFF  }
0x98: {  	s18 =	sld [smem:$0x3FDB];
	_ =	sdelay $0x1  }
0x99: {  	s19 =	simm.s32 $_scs_section_size  }
0x9a: {  	s4 =	simm.s32 $_size__tile_overlayer_lowered;
	s5 =	simm.s32 $_tile_overlayer_lowered  }
0x9b: {  	s22 =	simm.s32 $0x1BFF;
	s21 =	sshll.u32 s5, $0x1;
	s2 =	sadd.s32 s19, s18  }
0x9c: {  	s6 =	simm.s32 $0x0;
	s20 =	sshll.u32 s4, $0x1;
	s4 =	sadd.s32 s21, s2  }
0x9d: {  	[timem:s6], [sflag:s22] =	dma.local [hbm:s4], s20  }
0x9e: {  	_ =	swait.ge [sflag:s22], s20  }
0x9f: {  	s3 =	ssub.s32 $0x0, s20;
	[sflag:s22] =	ssyncset.done $0x0  }
0xa0: {  	[sflag:s22] =	ssyncadd.s32 s3;
	_ =	sdelay $0x1  }
0xa1: {  	s23 =	simm.s32 $0x1B8B  }
0xa2: {  	_ =	swait.ge [sflag:s23], $0x1  }
0xa3: {  	[sflag:s23] =	ssyncset.done $0x0  }
0xa4: {  	s25 =	simm.s32 $0x1B8E;
	s24 =	sld [smem:$0x3FFE];
	[sflag:s23] =	ssyncadd.s32 $0xFFFFFFFF  }
0xa5: {  	s26 =	simm.s32 $execute0_lowered;
	[smem:$0x3FD2] =	sst s25  }
0xa6: {  	s4 =	sshll.u32 s26, $0x1;
	_ =	strace $0x8000004C;
	[dreg:$0x1] =	wrdreg $0xFFFFFFFF  }
0xa7: {  	s28 =	simm.s32 $_size_execute0_lowered;
	s2 =	sadd.s32 s2, s4;
	[dreg:$0x0] =	wrdreg $0x0  }
0xa8: {  	s4 =	sshll.u32 s28, $0x1;
	[dreg:$0x2] =	wrdreg s2  }
0xa9: {  	[dreg:$0x3] =	wrdreg s4  }
0xaa: {  	[dreg:$0x4] =	wrdreg $0xC0  }
0xab: {  	_ =	task [dreg:s6], $0x5FFFF  }
0xac: {  	[dreg:$0x1] =	wrdreg $0xFFFFFFFF  }
0xad: {  	[dreg:$0x0] =	wrdreg $0x60  }
0xae: {  	[dreg:$0x2] =	wrdreg s24  }
0xaf: {  	[dreg:$0x3] =	wrdreg $0xA8000  }
0xb0: {  	[dreg:$0x4] =	wrdreg $0x9  }
0xb1: {  	_ =	task.clear_ibuf [dreg:s6], $0x5FFFF;
	_ =	strace $0x9000004C  }
0xb2: {  	s29 =	simm.s32 $0x9;
	_ =	strace $0x8000004E  }
0xb3: {  	_ =	swait.ge [sflag:s29], $0x1  }
0xb4: {  	[sflag:s29] =	ssyncadd.s32 $0xFFFFFFFF  }
0xb5: {  	_ =	strace $0x9000004E  }
0xb6: {  	_ =	sfence  }
0xb7: {  	s30 =	sld [smem:$0x0];
	_ =	sdelay $0x2  }
0xb8: {  	s31 =	sshll.u32 s1, $0xD;
	s1 =	sshrl.u32 s1, $0x2  }
0xb9: {  	s3 =	sand.u32 $0x4000, s31;
	s1 =	sadd.s32 s1, s30  }
0xba: {  	s0 =	sor.u32 s3, s0;
	s1 =	sshll.u32 s1, $0x11  }
0xbb: {  	s0 =	sor.u32 s1, s0  }
0xbc: {  	s0 =	sadd.s32 $0x8F2B, s0  }
0xbd: {  	[sflag:s0] =	ssyncadd.remote.s32 $0x1  }
0xbe: {  	_ =	sfence.sel $0xFFFF  }
0xbf: {  	[dreg:$0x0] =	wrdreg $0xFFFFFFFF;
	(pc) =	sbr.abs _section_cstart, $3  }
0xc0: {  	[dreg:$0x1] =	wrdreg $0xFFFFFFFF  }
0xc1: {  	_ =	task.clear_ibuf [dreg:s6], $0x2FFFF;
	_ =	strace $0x9FFFFFFF  }
0xc2: {  	(tm) =	ssettm $0x7FFFFFFF  }
0xc3: {  	_ =	shalt  }
tec
execute0_lowered:
.L_overlay_start_1:
0x0: {  	(tag) =	ssettag $0x1  }
0x1: {  	s5 =	rddreg [dreg:$0x0]  }
0x2: {  	s2 =	rddreg [dreg:$0x1]  }
0x3: {  	s0 =	rddreg [dreg:$0x2]  }
0x4: {  	s1 =	stileid.u32;
	s4 =	srdreg.scid;
	s3 =	simm.s32 $0x0  }
0x5: {  	s14 =	simm.s32 $0x78;
	s15 =	simm.s32 $0x3000;
	s16 =	simm.s32 $0x80  }
0x6: {  	s17 =	simm.s32 $0x6C00;
	s20 =	simm.s32 $0x1;
	s21 =	simm.s32 $0x2  }
0x7: {  	s22 =	simm.s32 $0x2C00;
	s23 =	simm.s32 $0x2C80;
	s24 =	simm.s32 $0x0  }
0x8: {  	s6 =	smul.u32 $0x2800, s1;
	s7 =	sand.u32 $0x1, s4;
	[smem:$0x7FF] =	sst s3  }
0x9: {  	s9 =	smul.u32 $0x14000, s1;
	s4 =	sadd.s32 $0x45600, s5;
	s10 =	sadd.s32 $0x5600, s5  }
0xa: {  	s11 =	sadd.s32 $0x11600, s5;
	s26 =	sshll.u32 s1, $0x1;
	s28 =	smul.u32 $0x50000, s1  }
0xb: {  	s18 =	sshll.u32 s1, $0x6;
	s8 =	smul.u32 $0x140000, s7;
	_ =	strace $0x8000004D  }
0xc: {  	s12 =	ssub.s32 $0x2, s7;
	s7 =	sor.u32 s7, s26;
	s18 =	sor.u32 $0x1C03, s18  }
0xd: {  	s6 =	sadd.s32 s6, s5;
	s13 =	sshrl.u32 s12, $0x1;
	s7 =	smul.u32 $0x3000, s7  }
0xe: {  	s29 =	sshrl.u32 s28, $0x2;
	s8 =	sadd.s32 s9, s8;
	s12 =	ssub.s32 s12, s13  }
0xf: {  	s19 =	sadd.s32 s29, s2;
	s13 =	simm.s32 $0x1800;
	s8 =	sshrl.u32 s8, $0x3  }
0x10: {  	s30 =	sshrl.u32 s7, $0x3;
	s7 =	smax.u32 s12, $0x1;
	s12 =	simm.s32 $0x3  }
0x11: {  	s19 =	sshrl.u32 s19, $0x3;
	s8 =	sadd.s32 s8, s5;
	s5 =	sadd.s32 $0x1D600, s6  }
0x12: {  	s31 =	sadd.s32 $0x300, s30;
	s9 =	sadd.s32 s11, s30;
	s6 =	sadd.s32 $0x6C800, s8  }
0x13: {  	s8 =	sadd.s32 s10, s30;
	s10 =	sadd.s32 s10, s31;
	s11 =	sadd.s32 s11, s31  }
.LBB2_1:
0x14: {  	[tilespmem:s3], [sflag:$0x3] =	stream.linear.gather [hbm4b:s8+s3], $0x1500, $0x38;
	[tilespmem:$0x1E800] =	vst v63  }
0x15: {  	_ =	swait.ge [sflag:s12], $0x1500  }
0x16: {  	[sflag:s12] =	ssyncset.done $0x0  }
0x17: {  	[sflag:s12] =	ssyncadd.s32 $0xFFFFEB00  }
0x18: {  	[tilespmem:s13], [sflag:$0x3] =	stream.linear.gather [hbm4b:s9+s3], $0x1500, $0x38;
	[tilespmem:$0x1E800] =	vst v63  }
0x19: {  	_ =	swait.ge [sflag:s12], $0x1500  }
0x1a: {  	[sflag:s12] =	ssyncset.done $0x0  }
0x1b: {  	[sflag:s12] =	ssyncadd.s32 $0xFFFFEB00  }
0x1c: {  	[tilespmem:s15], [sflag:$0x1] =	stream.indirect.gather [hbm4b:s4+s14], $0x80, s3, s14, $0xb8;
	[tilespmem:$0x1E800] =	vst v63  }
0x1d: {  	_ = 	snop  }
0x1e: {  	[tilespmem:s17], [sflag:$0x2] =	stream.indirect.gather [hbm4b:s4+s14], $0x80, s16, s14, $0xb8;
	[tilespmem:$0x1E800] =	vst v63  }
0x1f: {  	[spmem:s19], [sflag:s18] =	dma.local [hbm:s5], $0x2800  }
0x20: {  	_ =	swait.ge [sflag:s12], $0x2800  }
0x21: {  	[sflag:s12] =	ssyncset.done $0x0  }
0x22: {  	[sflag:s12] =	ssyncadd.s32 $0xFFFFD800  }
0x23: {  	[bflag:$0x0] =	sbarrier.arrive $0xFFFF  }
0x24: {  	_ =	swait.ge [sflag:s20], $0x3C00  }
0x25: {  	[sflag:s20] =	ssyncset.done $0x0  }
0x26: {  	s25 =	simm.s32 $0x1800;
	[sflag:s20] =	ssyncadd.s32 $0xFFFFC400  }
0x27: {  	[spmem:s2] =	stream.indirect.scatter.add.f32 [tilespmem:s15], [sflag:$0x3], $0x80, s25, s14, $0xb8;
	[tilespmem:$0x1E800] =	vst v63  }
0x28: {  	_ =	swait.ge [sflag:s12], $0x3C00  }
0x29: {  	[sflag:s12] =	ssyncset.done $0x0  }
0x2a: {  	s30 =	simm.s32 $0x100;
	[sflag:s12] =	ssyncadd.s32 $0xFFFFC400  }
0x2b: {  	[tilespmem:s15], [sflag:$0x1] =	stream.indirect.gather [hbm4b:s4+s14], $0x80, s30, s14, $0xb8;
	[tilespmem:$0x1E800] =	vst v63  }
0x2c: {  	_ =	swait.ge [sflag:s21], $0x3C00  }
0x2d: {  	[sflag:s21] =	ssyncset.done $0x0  }
0x2e: {  	s31 =	simm.s32 $0x1880;
	[sflag:s21] =	ssyncadd.s32 $0xFFFFC400  }
0x2f: {  	[spmem:s2] =	stream.indirect.scatter.add.f32 [tilespmem:s17], [sflag:$0x3], $0x80, s31, s14, $0xb8;
	[tilespmem:$0x1E800] =	vst v63  }
0x30: {  	_ =	swait.ge [sflag:s12], $0x3C00  }
0x31: {  	[sflag:s12] =	ssyncset.done $0x0  }
0x32: {  	s26 =	simm.s32 $0x180;
	s25 =	simm.s32 $0x400;
	[sflag:s12] =	ssyncadd.s32 $0xFFFFC400  }
.LBB2_2:
0x33: {  	[tilespmem:s17], [sflag:$0x2] =	stream.indirect.gather [hbm4b:s4+s14], $0x80, s26, s14, $0xb8;
	[tilespmem:$0x1E800] =	vst v63  }
0x34: {  	s26 =	smov.u32 s25  }
0x35: {  	p0 =	sne.s32 s25, $0x4C00;
	s25 =	sadd.s32 $0x400, s25;
	_ =	swait.ge [sflag:s20], $0x3C00  }
0x36: {  	s26 =	sshra.s32 s26, $0x2;
	[sflag:s20] =	ssyncset.done $0x0  }
0x37: {  	s28 =	sadd.s32 $0x1800, s26;
	[sflag:s20] =	ssyncadd.s32 $0xFFFFC400  }
0x38: {  	[spmem:s2] =	stream.indirect.scatter.add.f32 [tilespmem:s15], [sflag:$0x3], $0x80, s28, s14, $0xb8;
	[tilespmem:$0x1E800] =	vst v63  }
0x39: {  	_ =	swait.ge [sflag:s12], $0x3C00  }
0x3a: {  	[sflag:s12] =	ssyncset.done $0x0  }
0x3b: {  	s28 =	sadd.s32 $0x100, s26;
	[sflag:s12] =	ssyncadd.s32 $0xFFFFC400  }
0x3c: {  	[tilespmem:s15], [sflag:$0x1] =	stream.indirect.gather [hbm4b:s4+s14], $0x80, s28, s14, $0xb8;
	[tilespmem:$0x1E800] =	vst v63  }
0x3d: {  	_ =	swait.ge [sflag:s21], $0x3C00  }
0x3e: {  	[sflag:s21] =	ssyncset.done $0x0  }
.Ltmp0:
0x3f: {  	s28 =	sadd.s32 $0x1880, s26;
	[sflag:s21] =	ssyncadd.s32 $0xFFFFC400;
	(pc) =	sbr.rel @p0 .LBB2_2-.Ltmp0, $4  }
0x40: {  	[spmem:s2] =	stream.indirect.scatter.add.f32 [tilespmem:s17], [sflag:$0x3], $0x80, s28, s14, $0xb8;
	[tilespmem:$0x1E800] =	vst v63  }
0x41: {  	_ =	swait.ge [sflag:s12], $0x3C00  }
0x42: {  	[sflag:s12] =	ssyncset.done $0x0  }
0x43: {  	s26 =	sadd.s32 $0x180, s26;
	[sflag:s12] =	ssyncadd.s32 $0xFFFFC400  }
0x44: {  	[tilespmem:s17], [sflag:$0x2] =	stream.indirect.gather [hbm4b:s4+s14], $0x80, s26, s14, $0xb8;
	[tilespmem:$0x1E800] =	vst v63  }
0x45: {  	_ =	swait.ge [sflag:s20], $0x3C00  }
0x46: {  	[sflag:s20] =	ssyncset.done $0x0  }
0x47: {  	[sflag:s20] =	ssyncadd.s32 $0xFFFFC400  }
0x48: {  	[spmem:s2] =	stream.indirect.scatter.add.f32 [tilespmem:s15], [sflag:$0x3], $0x80, s22, s14, $0xb8;
	[tilespmem:$0x1E800] =	vst v63  }
0x49: {  	_ =	swait.ge [sflag:s12], $0x3C00  }
0x4a: {  	[sflag:s12] =	ssyncset.done $0x0  }
0x4b: {  	[sflag:s12] =	ssyncadd.s32 $0xFFFFC400  }
0x4c: {  	_ =	swait.ge [sflag:s21], $0x3C00  }
0x4d: {  	[sflag:s21] =	ssyncset.done $0x0  }
0x4e: {  	[sflag:s21] =	ssyncadd.s32 $0xFFFFC400  }
0x4f: {  	[spmem:s2] =	stream.indirect.scatter.add.f32 [tilespmem:s17], [sflag:$0x3], $0x80, s23, s14, $0xb8;
	[tilespmem:$0x1E800] =	vst v63  }
0x50: {  	_ =	swait.ge [sflag:s12], $0x3C00  }
0x51: {  	[sflag:s12] =	ssyncset.done $0x0  }
0x52: {  	s25 =	simm.s32 $0x0;
	[sflag:s12] =	ssyncadd.s32 $0xFFFFC400  }
0x53: {  	[tilespmem:s25], [sflag:$0x3] =	stream.linear.gather [hbm4b:s10+s25], $0x1500, $0x38;
	[tilespmem:$0x1E800] =	vst v63  }
0x54: {  	_ =	swait.ge [sflag:s12], $0x1500  }
0x55: {  	[sflag:s12] =	ssyncset.done $0x0  }
0x56: {  	[sflag:s12] =	ssyncadd.s32 $0xFFFFEB00  }
0x57: {  	[tilespmem:s13], [sflag:$0x3] =	stream.linear.gather [hbm4b:s11+s25], $0x1500, $0x38;
	[tilespmem:$0x1E800] =	vst v63  }
0x58: {  	_ =	swait.ge [sflag:s12], $0x1500  }
0x59: {  	[sflag:s12] =	ssyncset.done $0x0  }
0x5a: {  	[sflag:s12] =	ssyncadd.s32 $0xFFFFEB00  }
0x5b: {  	[tilespmem:s15], [sflag:$0x1] =	stream.indirect.gather [hbm4b:s4+s14], $0x80, s25, s14, $0xb8;
	[tilespmem:$0x1E800] =	vst v63  }
0x5c: {  	_ = 	snop  }
0x5d: {  	[tilespmem:s17], [sflag:$0x2] =	stream.indirect.gather [hbm4b:s4+s14], $0x80, s16, s14, $0xb8;
	[tilespmem:$0x1E800] =	vst v63  }
0x5e: {  	_ =	swait.ge [sflag:s20], $0x3C00  }
0x5f: {  	[sflag:s20] =	ssyncset.done $0x0  }
0x60: {  	s29 =	simm.s32 $0x1800;
	[sflag:s20] =	ssyncadd.s32 $0xFFFFC400  }
0x61: {  	[spmem:s2] =	stream.indirect.scatter.add.f32 [tilespmem:s15], [sflag:$0x3], $0x80, s29, s14, $0xb8;
	[tilespmem:$0x1E800] =	vst v63  }
0x62: {  	_ =	swait.ge [sflag:s12], $0x3C00  }
0x63: {  	[sflag:s12] =	ssyncset.done $0x0  }
0x64: {  	s30 =	simm.s32 $0x100;
	[sflag:s12] =	ssyncadd.s32 $0xFFFFC400  }
0x65: {  	[tilespmem:s15], [sflag:$0x1] =	stream.indirect.gather [hbm4b:s4+s14], $0x80, s30, s14, $0xb8;
	[tilespmem:$0x1E800] =	vst v63  }
0x66: {  	_ =	swait.ge [sflag:s21], $0x3C00  }
0x67: {  	[sflag:s21] =	ssyncset.done $0x0  }
0x68: {  	s31 =	simm.s32 $0x1880;
	[sflag:s21] =	ssyncadd.s32 $0xFFFFC400  }
0x69: {  	[spmem:s2] =	stream.indirect.scatter.add.f32 [tilespmem:s17], [sflag:$0x3], $0x80, s31, s14, $0xb8;
	[tilespmem:$0x1E800] =	vst v63  }
0x6a: {  	_ =	swait.ge [sflag:s12], $0x3C00  }
0x6b: {  	[sflag:s12] =	ssyncset.done $0x0  }
0x6c: {  	s26 =	simm.s32 $0x180;
	s25 =	simm.s32 $0x400;
	[sflag:s12] =	ssyncadd.s32 $0xFFFFC400  }
.LBB2_4:
0x6d: {  	[tilespmem:s17], [sflag:$0x2] =	stream.indirect.gather [hbm4b:s4+s14], $0x80, s26, s14, $0xb8;
	[tilespmem:$0x1E800] =	vst v63  }
0x6e: {  	s26 =	smov.u32 s25  }
0x6f: {  	p0 =	sne.s32 s25, $0x4C00;
	s25 =	sadd.s32 $0x400, s25;
	_ =	swait.ge [sflag:s20], $0x3C00  }
0x70: {  	s26 =	sshra.s32 s26, $0x2;
	[sflag:s20] =	ssyncset.done $0x0  }
0x71: {  	s28 =	sadd.s32 $0x1800, s26;
	[sflag:s20] =	ssyncadd.s32 $0xFFFFC400  }
0x72: {  	[spmem:s2] =	stream.indirect.scatter.add.f32 [tilespmem:s15], [sflag:$0x3], $0x80, s28, s14, $0xb8;
	[tilespmem:$0x1E800] =	vst v63  }
0x73: {  	_ =	swait.ge [sflag:s12], $0x3C00  }
0x74: {  	[sflag:s12] =	ssyncset.done $0x0  }
0x75: {  	s28 =	sadd.s32 $0x100, s26;
	[sflag:s12] =	ssyncadd.s32 $0xFFFFC400  }
0x76: {  	[tilespmem:s15], [sflag:$0x1] =	stream.indirect.gather [hbm4b:s4+s14], $0x80, s28, s14, $0xb8;
	[tilespmem:$0x1E800] =	vst v63  }
0x77: {  	_ =	swait.ge [sflag:s21], $0x3C00  }
0x78: {  	[sflag:s21] =	ssyncset.done $0x0  }
.Ltmp1:
0x79: {  	s28 =	sadd.s32 $0x1880, s26;
	[sflag:s21] =	ssyncadd.s32 $0xFFFFC400;
	(pc) =	sbr.rel @p0 .LBB2_4-.Ltmp1, $4  }
0x7a: {  	[spmem:s2] =	stream.indirect.scatter.add.f32 [tilespmem:s17], [sflag:$0x3], $0x80, s28, s14, $0xb8;
	[tilespmem:$0x1E800] =	vst v63  }
0x7b: {  	_ =	swait.ge [sflag:s12], $0x3C00  }
0x7c: {  	[sflag:s12] =	ssyncset.done $0x0  }
0x7d: {  	s26 =	sadd.s32 $0x180, s26;
	[sflag:s12] =	ssyncadd.s32 $0xFFFFC400  }
0x7e: {  	[tilespmem:s17], [sflag:$0x2] =	stream.indirect.gather [hbm4b:s4+s14], $0x80, s26, s14, $0xb8;
	[tilespmem:$0x1E800] =	vst v63  }
0x7f: {  	_ =	swait.ge [sflag:s20], $0x3C00  }
0x80: {  	[sflag:s20] =	ssyncset.done $0x0  }
0x81: {  	[sflag:s20] =	ssyncadd.s32 $0xFFFFC400  }
0x82: {  	[spmem:s2] =	stream.indirect.scatter.add.f32 [tilespmem:s15], [sflag:$0x3], $0x80, s22, s14, $0xb8;
	[tilespmem:$0x1E800] =	vst v63  }
0x83: {  	_ =	swait.ge [sflag:s12], $0x3C00  }
0x84: {  	[sflag:s12] =	ssyncset.done $0x0  }
0x85: {  	[sflag:s12] =	ssyncadd.s32 $0xFFFFC400  }
0x86: {  	_ =	swait.ge [sflag:s21], $0x3C00  }
0x87: {  	[sflag:s21] =	ssyncset.done $0x0  }
0x88: {  	[sflag:s21] =	ssyncadd.s32 $0xFFFFC400  }
0x89: {  	[spmem:s2] =	stream.indirect.scatter.add.f32 [tilespmem:s17], [sflag:$0x3], $0x80, s23, s14, $0xb8;
	[tilespmem:$0x1E800] =	vst v63  }
0x8a: {  	_ =	swait.ge [sflag:s12], $0x3C00  }
0x8b: {  	s24 =	sadd.s32 $0x1, s24;
	[sflag:s12] =	ssyncset.done $0x0  }
0x8c: {  	p0 =	sne.s32 s24, s7;
	[sflag:s12] =	ssyncadd.s32 $0xFFFFC400  }
.Ltmp2:
0x8d: {  	[bflag:$0x0] =	sbarrier.arrive $0xFFFF;
	(pc) =	sbr.rel @p0 .LBB2_1-.Ltmp2, $4  }
0x8e: {  	[hbm:s6], [sflag:s18] =	dma.local [spmem:s19], $0x2800  }
0x8f: {  	_ =	swait.ge [sflag:s12], $0x2800  }
0x90: {  	[sflag:s12] =	ssyncset.done $0x0  }
0x91: {  	[sflag:s12] =	ssyncadd.s32 $0xFFFFD800  }
0x92: {  	_ =	sfence.sel $0x180000  }
0x93: {  	[bflag:$0x0] =	sbarrier.arrive $0xFFFF  }
0x94: {  	p0 =	sne.s32 s1, $0x0;
	_ =	strace $0x9000004D  }
0x95: {  	s0 =	sadd.s32 @!p0 $0x100000, s0;
	[bflag:$0x2] =	sbarrier.arrive $0xFFFF  }
0x96: {  	[sflag:s0] =	ssyncadd.tile.s32 @!p0 $0x1;
	_ =	shalt  }
.Lfunc_end2:
_tile_overlayer_lowered:
.L_overlay_start_2:
0x97: {  	(tag) =	ssettag $0x2  }
0x98: {  	s0 =	rddreg [dreg:$0x0];
	s2 =	stileid.u32  }
0x99: {  	s1 =	rddreg [dreg:$0x1];
	p0 =	sne.s32 s2, $0x0  }
0x9a: {  	s3 =	rddreg [dreg:$0x2];
	[bflag:$0x3] =	sbarrier.arrive $0xFFFF;
	s2 =	simm.s32 @!p0 $0x1C03  }
0x9b: {  	[timem:s3], [sflag:s2] =	dma.local @!p0 [hbm:s0], s1  }
0x9c: {  	s0 =	simm.s32 @!p0 $0x3  }
0x9d: {  	_ =	swait.ge @!p0 [sflag:s0], s1  }
0x9e: {  	s1 =	ssub.s32 @!p0 $0x0, s1;
	[sflag:s0] =	ssyncset.done @!p0 $0x0  }
0x9f: {  	[sflag:s0] =	ssyncadd.s32 @!p0 s1  }
0xa0: {  	[bflag:$0x3] =	sbarrier.arrive $0xFFFF  }
0xa1: {  	_ =	shalt  }

// kernel: kernel.9.cloned.1.call-start
scs
__scs_entry_jumppad:
0x0: {  	(pc) =	sbr.rel $0x88, $3  }
0x1: {  	(tag) =	ssettag $0x0;
	lr =	simm.s32 $0x1  }
0x2: {  	[smem:$0x3F88] =	sst lr;
	_ =	strace $0xD0000000  }
0x3: {  	_ = 	snop  }
0x4: {  	_ = 	snop  }
0x5: {  	_ = 	snop  }
0x6: {  	_ = 	snop  }
0x7: {  	_ = 	snop  }
__scs_overlays_trampoline_lowered:
0x8: {  	[smem:$0x3F97] =	sst s0  }
0x9: {  	[smem:$0x3F98] =	sst s1  }
0xa: {  	[smem:$0x3F99] =	sst s2  }
0xb: {  	[smem:$0x3F9A] =	sst s3  }
0xc: {  	[smem:$0x3F9B] =	sst s4  }
0xd: {  	[smem:$0x3F9C] =	sst s5  }
0xe: {  	[smem:$0x3F9D] =	sst s6  }
0xf: {  	[smem:$0x3F9E] =	sst s7  }
0x10: {  	[smem:$0x3F9F] =	sst s8  }
0x11: {  	[smem:$0x3FA0] =	sst s9;
	s0 =	simm.s32 @!p0 $0x0  }
0x12: {  	s1 =	sld [smem:$0x3F86];
	s0 =	simm.s32 @p0 $0x1  }
0x13: {  	[smem:$0x3FA1] =	sst s0;
	s0 =	simm.s32 @!p1 $0x0  }
0x14: {  	s2 =	sld [smem:$0x3F85];
	s0 =	simm.s32 @p1 $0x1  }
0x15: {  	[smem:$0x3FA2] =	sst s0;
	s0 =	simm.s32 @!p2 $0x0  }
0x16: {  	s3 =	sld [smem:$0x3FDB];
	s0 =	simm.s32 @p2 $0x1  }
0x17: {  	s4 =	simm.s32 $0x1BF5;
	[smem:$0x3FA4] =	sst s0  }
0x18: {  	s0 =	sld [smem:$0x3F87];
	_ =	swait.ge [sflag:s4], $0x0  }
0x19: {  	s7 =	sld [smem:$0x3F88]  }
0x1a: {  	s8 =	sadd.s32 $0xFFFFE003, lr  }
0x1b: {  	s9 =	sadd.s32 $0xFFFFFEF7, lr;
	s5 =	simm.s32 $0xFFFFFFFF;
	p2 =	slt.u32 s8, $0xFFFFF086  }
0x1c: {  	p1 =	slt.u32 s9, $0xF7A;
	s5 =	simm.s32 @!p2 $0x0  }
0x1d: {  	s5 =	simm.s32 @p1 $0x1;
	p0 =	seq.s32 s7, s2  }
0x1e: {  	s7 =	smul.u32 @!p0 $0xF7A, s2;
	p2 =	seq.s32 @!p0 s5, $0x0  }
0x1f: {  	s9 =	smul.u32 $0xF7A, s1;
	s8 =	simm.s32 @!p0 $0x1BF5;
	p2 =	por !p2, p0  }
0x20: {  	[sflag:s8] =	ssyncset.s32 @!p0 $0xFFFFF086;
	s6 =	sadd.s32 @!p0 s3, s7;
	s7 =	simm.s32 @!p0 $0x108  }
0x21: {  	s3 =	sadd.s32 s3, s9;
	s6 =	sadd.s32 @!p0 $0x88, s6;
	s7 =	simm.s32 @p2 $0x1082  }
0x22: {  	[simem:s7], [sflag:s8] =	dma.local @!p0 [hbm:s6], $0xF7A  }
0x23: {  	s9 =	sor.u32 $0xD0000000, s2;
	s6 =	simm.s32 $0x108;
	_ =	swait.ge @!p0 [sflag:s8], $0x0  }
0x24: {  	s3 =	sadd.s32 $0x88, s3;
	s6 =	simm.s32 @!p1 $0x1082;
	[sflag:s4] =	ssyncset.s32 $0xFFFFF086  }
0x25: {  	[simem:s6], [sflag:s4] =	dma.local [hbm:s3], $0xF7A  }
0x26: {  	[smem:$0x3F88] =	sst s1;
	(tag) =	ssettag s2;
	_ =	strace s9  }
0x27: {  	s1 =	sld [smem:$0x3F98]  }
0x28: {  	s2 =	sld [smem:$0x3F99]  }
0x29: {  	s4 =	sld [smem:$0x3F9B]  }
0x2a: {  	p0 =	seq.s32 s5, $0x0;
	s5 =	sld [smem:$0x3F9C]  }
0x2b: {  	s6 =	sld [smem:$0x3F9D]  }
0x2c: {  	s7 =	sld [smem:$0x3F9E]  }
0x2d: {  	s3 =	simm.s32 $0x108;
	s8 =	sld [smem:$0x3F9F]  }
0x2e: {  	s3 =	simm.s32 @!p0 $0x1082;
	s9 =	sld [smem:$0x3FA0]  }
0x2f: {  	lr =	sadd.s32 s0, s3;
	s0 =	sld [smem:$0x3F97]  }
0x30: {  	s3 =	sld [smem:$0x3F9A]  }
0x31: {  	[smem:$0x3FA3] =	sst s10  }
0x32: {  	s10 =	sld [smem:$0x3FA1];
	_ =	sdelay $0x3  }
0x33: {  	p0 =	seq.s32 s10, $0x1;
	s10 =	sld [smem:$0x3FA3];
	_ =	sdelay $0x3  }
0x34: {  	[smem:$0x3FA3] =	sst s10  }
0x35: {  	s10 =	sld [smem:$0x3FA2];
	_ =	sdelay $0x3  }
0x36: {  	p1 =	seq.s32 s10, $0x1;
	s10 =	sld [smem:$0x3FA3];
	_ =	sdelay $0x3  }
0x37: {  	[smem:$0x3FA3] =	sst s10  }
0x38: {  	s10 =	sld [smem:$0x3FA4]  }
0x39: {  	_ = 	snop;
	(pc) =	sbr.ind lr, $3  }
0x3a: {  	_ = 	snop  }
0x3b: {  	_ = 	snop  }
0x3c: {  	p2 =	seq.s32 s10, $0x1;
	s10 =	sld [smem:$0x3FA3]  }
0x3d: {  	_ =	shalt  }
0x3e: {  	_ =	shalt  }
0x3f: {  	_ =	shalt  }
0x40: {  	_ =	shalt  }
0x41: {  	_ =	shalt  }
0x42: {  	_ =	shalt  }
0x43: {  	_ =	shalt  }
0x44: {  	_ =	shalt  }
0x45: {  	_ =	shalt  }
0x46: {  	_ =	shalt  }
0x47: {  	_ =	shalt  }
0x48: {  	_ =	shalt  }
0x49: {  	_ =	shalt  }
0x4a: {  	_ =	shalt  }
0x4b: {  	_ =	shalt  }
0x4c: {  	_ =	shalt  }
0x4d: {  	_ =	shalt  }
0x4e: {  	_ =	shalt  }
0x4f: {  	_ =	shalt  }
0x50: {  	_ =	shalt  }
0x51: {  	_ =	shalt  }
0x52: {  	_ =	shalt  }
0x53: {  	_ =	shalt  }
0x54: {  	_ =	shalt  }
0x55: {  	_ =	shalt  }
0x56: {  	_ =	shalt  }
0x57: {  	_ =	shalt  }
0x58: {  	_ =	shalt  }
0x59: {  	_ =	shalt  }
0x5a: {  	_ =	shalt  }
0x5b: {  	_ =	shalt  }
0x5c: {  	_ =	shalt  }
0x5d: {  	_ =	shalt  }
0x5e: {  	_ =	shalt  }
0x5f: {  	_ =	shalt  }
0x60: {  	_ =	shalt  }
0x61: {  	_ =	shalt  }
0x62: {  	_ =	shalt  }
0x63: {  	_ =	shalt  }
0x64: {  	_ =	shalt  }
0x65: {  	_ =	shalt  }
0x66: {  	_ =	shalt  }
0x67: {  	_ =	shalt  }
0x68: {  	_ =	shalt  }
0x69: {  	_ =	shalt  }
0x6a: {  	_ =	shalt  }
0x6b: {  	_ =	shalt  }
0x6c: {  	_ =	shalt  }
0x6d: {  	_ =	shalt  }
0x6e: {  	_ =	shalt  }
0x6f: {  	_ =	shalt  }
0x70: {  	_ =	shalt  }
0x71: {  	_ =	shalt  }
0x72: {  	_ =	shalt  }
0x73: {  	_ =	shalt  }
0x74: {  	_ =	shalt  }
0x75: {  	_ =	shalt  }
0x76: {  	_ =	shalt  }
0x77: {  	_ =	shalt  }
0x78: {  	_ =	shalt  }
0x79: {  	_ =	shalt  }
0x7a: {  	_ =	shalt  }
0x7b: {  	_ =	shalt  }
0x7c: {  	_ =	shalt  }
0x7d: {  	_ =	shalt  }
0x7e: {  	_ =	shalt  }
0x7f: {  	_ =	shalt  }
0x80: {  	_ =	shalt  }
0x81: {  	_ =	shalt  }
0x82: {  	_ =	shalt  }
0x83: {  	_ =	shalt  }
0x84: {  	_ =	shalt  }
0x85: {  	_ =	shalt  }
0x86: {  	_ =	shalt  }
0x87: {  	_ =	shalt  }
.Lfunc_end0:
.L_simem_size_0:
called_computation_lowered:
.L_overlay_start_0:
0x88: {  	s2 =	sld [smem:$0x3FD9]  }
0x89: {  	s3 =	sld [smem:$0x3FFE];
	_ =	sdelay $0x1  }
0x8a: {  	s1 =	srdreg.scid  }
0x8b: {  	s0 =	sand.u32 $0x1, s1  }
0x8c: {  	s17 =	sshll.u32 s0, $0xA;
	s2 =	sadd.s32 s3, s2  }
0x8d: {  	s2 =	sadd.s32 s2, s17  }
0x8e: {  	[smem:$0x3FAF] =	sst s2  }
0x8f: {  	_ = 	snop  }
0x90: {  	s2 =	sld [smem:$0x3FC9];
	(tm) =	ssettm $0x1  }
0x91: {  	s18 =	sld [smem:$0x3FFB];
	_ =	sdelay $0x3  }
0x92: {  	_ =	strace s18  }
0x93: {  	s3 =	sld [smem:$0x3FFC];
	_ =	sdelay $0x3  }
0x94: {  	_ =	strace s3  }
0x95: {  	s3 =	sld [smem:$0x3FFD];
	_ =	sdelay $0x3  }
0x96: {  	_ =	strace s3  }
0x97: {  	_ =	strace $0x8FFFFFFF  }
0x98: {  	s19 =	sld [smem:$0x3FDB];
	_ =	sdelay $0x1  }
0x99: {  	s4 =	simm.s32 $_scs_section_size  }
0x9a: {  	s5 =	simm.s32 $_size__tile_overlayer_lowered;
	s6 =	simm.s32 $_tile_overlayer_lowered  }
0x9b: {  	s22 =	simm.s32 $0x1BFF;
	s21 =	sshll.u32 s6, $0x1;
	s3 =	sadd.s32 s4, s19  }
0x9c: {  	s7 =	simm.s32 $0x0;
	s20 =	sshll.u32 s5, $0x1;
	s5 =	sadd.s32 s21, s3  }
0x9d: {  	[timem:s7], [sflag:s22] =	dma.local [hbm:s5], s20  }
0x9e: {  	_ =	swait.ge [sflag:s22], s20  }
0x9f: {  	s4 =	ssub.s32 $0x0, s20;
	[sflag:s22] =	ssyncset.done $0x0  }
0xa0: {  	[sflag:s22] =	ssyncadd.s32 s4;
	_ =	sdelay $0x1  }
0xa1: {  	s23 =	simm.s32 $0x1B8B  }
0xa2: {  	_ =	swait.ge [sflag:s23], $0x1  }
0xa3: {  	[sflag:s23] =	ssyncset.done $0x0  }
0xa4: {  	s25 =	simm.s32 $0x1B8E;
	s24 =	sld [smem:$0x3FFE];
	[sflag:s23] =	ssyncadd.s32 $0xFFFFFFFF  }
0xa5: {  	s26 =	simm.s32 $execute0_lowered;
	[smem:$0x3FD2] =	sst s25  }
0xa6: {  	s5 =	sshll.u32 s26, $0x1;
	_ =	strace $0x80000046;
	[dreg:$0x1] =	wrdreg $0xFFFFFFFF  }
0xa7: {  	s28 =	simm.s32 $_size_execute0_lowered;
	s3 =	sadd.s32 s3, s5;
	[dreg:$0x0] =	wrdreg $0x0  }
0xa8: {  	s5 =	sshll.u32 s28, $0x1;
	[dreg:$0x2] =	wrdreg s3  }
0xa9: {  	[dreg:$0x3] =	wrdreg s5  }
0xaa: {  	[dreg:$0x4] =	wrdreg $0xC0  }
0xab: {  	_ =	task [dreg:s7], $0x5FFFF  }
0xac: {  	[dreg:$0x1] =	wrdreg $0xFFFFFFFF  }
0xad: {  	[dreg:$0x0] =	wrdreg $0x60  }
0xae: {  	[dreg:$0x2] =	wrdreg s2  }
0xaf: {  	[dreg:$0x3] =	wrdreg s24  }
0xb0: {  	[dreg:$0x4] =	wrdreg $0xA8000  }
0xb1: {  	[dreg:$0x5] =	wrdreg $0x9  }
0xb2: {  	_ =	task.clear_ibuf [dreg:s7], $0x6FFFF;
	_ =	strace $0x90000046  }
0xb3: {  	s29 =	simm.s32 $0x9;
	_ =	strace $0x80000048  }
0xb4: {  	_ =	swait.ge [sflag:s29], $0x1  }
0xb5: {  	[sflag:s29] =	ssyncadd.s32 $0xFFFFFFFF  }
0xb6: {  	_ =	strace $0x90000048  }
0xb7: {  	_ =	sfence  }
0xb8: {  	s30 =	sld [smem:$0x0];
	_ =	sdelay $0x2  }
0xb9: {  	s31 =	sshll.u32 s1, $0xD;
	s1 =	sshrl.u32 s1, $0x2  }
0xba: {  	s3 =	sand.u32 $0x4000, s31;
	s1 =	sadd.s32 s1, s30  }
0xbb: {  	s0 =	sor.u32 s3, s0;
	s1 =	sshll.u32 s1, $0x11  }
0xbc: {  	s0 =	sor.u32 s1, s0  }
0xbd: {  	s0 =	sadd.s32 $0x8F2B, s0  }
0xbe: {  	[sflag:s0] =	ssyncadd.remote.s32 $0x1  }
0xbf: {  	_ =	sfence.sel $0xFFFF  }
0xc0: {  	[dreg:$0x0] =	wrdreg $0xFFFFFFFF;
	(pc) =	sbr.abs _section_cstart, $3  }
0xc1: {  	[dreg:$0x1] =	wrdreg $0xFFFFFFFF  }
0xc2: {  	_ =	task.clear_ibuf [dreg:s7], $0x2FFFF;
	_ =	strace $0x9FFFFFFF  }
0xc3: {  	(tm) =	ssettm $0x7FFFFFFF  }
tec
execute0_lowered:
.L_overlay_start_1:
0x0: {  	(tag) =	ssettag $0x1  }
0x1: {  	s1 =	rddreg [dreg:$0x0]  }
0x2: {  	s5 =	rddreg [dreg:$0x1];
	s0 =	stileid.u32  }
0x3: {  	s2 =	srdreg.scid;
	s3 =	rddreg [dreg:$0x2];
	s4 =	simm.s32 $0x0  }
0x4: {  	s14 =	simm.s32 $0x78;
	s15 =	simm.s32 $0x3000;
	s16 =	simm.s32 $0x80  }
0x5: {  	s17 =	simm.s32 $0x6C00;
	s20 =	simm.s32 $0x1;
	s21 =	simm.s32 $0x2  }
0x6: {  	s22 =	simm.s32 $0x2C00;
	s23 =	simm.s32 $0x2C80;
	s24 =	simm.s32 $0x0  }
0x7: {  	s6 =	smul.u32 $0x2800, s0;
	s7 =	sand.u32 $0x1, s2;
	s2 =	rddreg [dreg:$0x3]  }
0x8: {  	[smem:$0x7FF] =	sst s4;
	s9 =	smul.u32 $0x14000, s0;
	s10 =	sadd.s32 $0x5600, s5  }
0x9: {  	s11 =	sadd.s32 $0x11600, s5;
	s26 =	sshll.u32 s0, $0x1;
	s28 =	smul.u32 $0x50000, s0  }
0xa: {  	s18 =	sshll.u32 s0, $0x6;
	s8 =	smul.u32 $0x140000, s7;
	_ =	strace $0x80000047  }
0xb: {  	s12 =	ssub.s32 $0x2, s7;
	s7 =	sor.u32 s7, s26;
	s18 =	sor.u32 $0x1C03, s18  }
0xc: {  	s6 =	sadd.s32 s6, s5;
	s13 =	sshrl.u32 s12, $0x1;
	s7 =	smul.u32 $0x3000, s7  }
0xd: {  	s29 =	sshrl.u32 s28, $0x2;
	s8 =	sadd.s32 s9, s8;
	s12 =	ssub.s32 s12, s13  }
0xe: {  	s19 =	sadd.s32 s29, s3;
	s13 =	simm.s32 $0x1800;
	s8 =	sshrl.u32 s8, $0x3  }
0xf: {  	s30 =	sshrl.u32 s7, $0x3;
	s7 =	smax.u32 s12, $0x1;
	s12 =	simm.s32 $0x3  }
0x10: {  	s19 =	sshrl.u32 s19, $0x3;
	s8 =	sadd.s32 s8, s5;
	s5 =	sadd.s32 $0x1D600, s6  }
0x11: {  	s31 =	sadd.s32 $0x300, s30;
	s9 =	sadd.s32 s11, s30;
	s6 =	sadd.s32 $0x45600, s8  }
0x12: {  	s8 =	sadd.s32 s10, s30;
	s10 =	sadd.s32 s10, s31;
	s11 =	sadd.s32 s11, s31  }
.LBB2_1:
0x13: {  	[tilespmem:s4], [sflag:$0x3] =	stream.linear.gather [hbm4b:s8+s4], $0x1500, $0x38;
	[tilespmem:$0x1E800] =	vst v63  }
0x14: {  	_ =	swait.ge [sflag:s12], $0x1500  }
0x15: {  	[sflag:s12] =	ssyncset.done $0x0  }
0x16: {  	[sflag:s12] =	ssyncadd.s32 $0xFFFFEB00  }
0x17: {  	[tilespmem:s13], [sflag:$0x3] =	stream.linear.gather [hbm4b:s9+s4], $0x1500, $0x38;
	[tilespmem:$0x1E800] =	vst v63  }
0x18: {  	_ =	swait.ge [sflag:s12], $0x1500  }
0x19: {  	[sflag:s12] =	ssyncset.done $0x0  }
0x1a: {  	[sflag:s12] =	ssyncadd.s32 $0xFFFFEB00  }
0x1b: {  	[tilespmem:s15], [sflag:$0x1] =	stream.indirect.gather [hbm4b:s1+s14], $0x80, s4, s14, $0xb8;
	[tilespmem:$0x1E800] =	vst v63  }
0x1c: {  	_ = 	snop  }
0x1d: {  	[tilespmem:s17], [sflag:$0x2] =	stream.indirect.gather [hbm4b:s1+s14], $0x80, s16, s14, $0xb8;
	[tilespmem:$0x1E800] =	vst v63  }
0x1e: {  	[spmem:s19], [sflag:s18] =	dma.local [hbm:s5], $0x2800  }
0x1f: {  	_ =	swait.ge [sflag:s12], $0x2800  }
0x20: {  	[sflag:s12] =	ssyncset.done $0x0  }
0x21: {  	[sflag:s12] =	ssyncadd.s32 $0xFFFFD800  }
0x22: {  	[bflag:$0x0] =	sbarrier.arrive $0xFFFF  }
0x23: {  	_ =	swait.ge [sflag:s20], $0x3C00  }
0x24: {  	[sflag:s20] =	ssyncset.done $0x0  }
0x25: {  	s25 =	simm.s32 $0x1800;
	[sflag:s20] =	ssyncadd.s32 $0xFFFFC400  }
0x26: {  	[spmem:s3] =	stream.indirect.scatter.add.f32 [tilespmem:s15], [sflag:$0x3], $0x80, s25, s14, $0xb8;
	[tilespmem:$0x1E800] =	vst v63  }
0x27: {  	_ =	swait.ge [sflag:s12], $0x3C00  }
0x28: {  	[sflag:s12] =	ssyncset.done $0x0  }
0x29: {  	s30 =	simm.s32 $0x100;
	[sflag:s12] =	ssyncadd.s32 $0xFFFFC400  }
0x2a: {  	[tilespmem:s15], [sflag:$0x1] =	stream.indirect.gather [hbm4b:s1+s14], $0x80, s30, s14, $0xb8;
	[tilespmem:$0x1E800] =	vst v63  }
0x2b: {  	_ =	swait.ge [sflag:s21], $0x3C00  }
0x2c: {  	[sflag:s21] =	ssyncset.done $0x0  }
0x2d: {  	s31 =	simm.s32 $0x1880;
	[sflag:s21] =	ssyncadd.s32 $0xFFFFC400  }
0x2e: {  	[spmem:s3] =	stream.indirect.scatter.add.f32 [tilespmem:s17], [sflag:$0x3], $0x80, s31, s14, $0xb8;
	[tilespmem:$0x1E800] =	vst v63  }
0x2f: {  	_ =	swait.ge [sflag:s12], $0x3C00  }
0x30: {  	[sflag:s12] =	ssyncset.done $0x0  }
0x31: {  	s26 =	simm.s32 $0x180;
	s25 =	simm.s32 $0x400;
	[sflag:s12] =	ssyncadd.s32 $0xFFFFC400  }
.LBB2_2:
0x32: {  	[tilespmem:s17], [sflag:$0x2] =	stream.indirect.gather [hbm4b:s1+s14], $0x80, s26, s14, $0xb8;
	[tilespmem:$0x1E800] =	vst v63  }
0x33: {  	s26 =	smov.u32 s25  }
0x34: {  	p0 =	sne.s32 s25, $0x4C00;
	s25 =	sadd.s32 $0x400, s25;
	_ =	swait.ge [sflag:s20], $0x3C00  }
0x35: {  	s26 =	sshra.s32 s26, $0x2;
	[sflag:s20] =	ssyncset.done $0x0  }
0x36: {  	s28 =	sadd.s32 $0x1800, s26;
	[sflag:s20] =	ssyncadd.s32 $0xFFFFC400  }
0x37: {  	[spmem:s3] =	stream.indirect.scatter.add.f32 [tilespmem:s15], [sflag:$0x3], $0x80, s28, s14, $0xb8;
	[tilespmem:$0x1E800] =	vst v63  }
0x38: {  	_ =	swait.ge [sflag:s12], $0x3C00  }
0x39: {  	[sflag:s12] =	ssyncset.done $0x0  }
0x3a: {  	s28 =	sadd.s32 $0x100, s26;
	[sflag:s12] =	ssyncadd.s32 $0xFFFFC400  }
0x3b: {  	[tilespmem:s15], [sflag:$0x1] =	stream.indirect.gather [hbm4b:s1+s14], $0x80, s28, s14, $0xb8;
	[tilespmem:$0x1E800] =	vst v63  }
0x3c: {  	_ =	swait.ge [sflag:s21], $0x3C00  }
0x3d: {  	[sflag:s21] =	ssyncset.done $0x0  }
.Ltmp0:
0x3e: {  	s28 =	sadd.s32 $0x1880, s26;
	[sflag:s21] =	ssyncadd.s32 $0xFFFFC400;
	(pc) =	sbr.rel @p0 .LBB2_2-.Ltmp0, $4  }
0x3f: {  	[spmem:s3] =	stream.indirect.scatter.add.f32 [tilespmem:s17], [sflag:$0x3], $0x80, s28, s14, $0xb8;
	[tilespmem:$0x1E800] =	vst v63  }
0x40: {  	_ =	swait.ge [sflag:s12], $0x3C00  }
0x41: {  	[sflag:s12] =	ssyncset.done $0x0  }
0x42: {  	s26 =	sadd.s32 $0x180, s26;
	[sflag:s12] =	ssyncadd.s32 $0xFFFFC400  }
0x43: {  	[tilespmem:s17], [sflag:$0x2] =	stream.indirect.gather [hbm4b:s1+s14], $0x80, s26, s14, $0xb8;
	[tilespmem:$0x1E800] =	vst v63  }
0x44: {  	_ =	swait.ge [sflag:s20], $0x3C00  }
0x45: {  	[sflag:s20] =	ssyncset.done $0x0  }
0x46: {  	[sflag:s20] =	ssyncadd.s32 $0xFFFFC400  }
0x47: {  	[spmem:s3] =	stream.indirect.scatter.add.f32 [tilespmem:s15], [sflag:$0x3], $0x80, s22, s14, $0xb8;
	[tilespmem:$0x1E800] =	vst v63  }
0x48: {  	_ =	swait.ge [sflag:s12], $0x3C00  }
0x49: {  	[sflag:s12] =	ssyncset.done $0x0  }
0x4a: {  	[sflag:s12] =	ssyncadd.s32 $0xFFFFC400  }
0x4b: {  	_ =	swait.ge [sflag:s21], $0x3C00  }
0x4c: {  	[sflag:s21] =	ssyncset.done $0x0  }
0x4d: {  	[sflag:s21] =	ssyncadd.s32 $0xFFFFC400  }
0x4e: {  	[spmem:s3] =	stream.indirect.scatter.add.f32 [tilespmem:s17], [sflag:$0x3], $0x80, s23, s14, $0xb8;
	[tilespmem:$0x1E800] =	vst v63  }
0x4f: {  	_ =	swait.ge [sflag:s12], $0x3C00  }
0x50: {  	[sflag:s12] =	ssyncset.done $0x0  }
0x51: {  	s25 =	simm.s32 $0x0;
	[sflag:s12] =	ssyncadd.s32 $0xFFFFC400  }
0x52: {  	[tilespmem:s25], [sflag:$0x3] =	stream.linear.gather [hbm4b:s10+s25], $0x1500, $0x38;
	[tilespmem:$0x1E800] =	vst v63  }
0x53: {  	_ =	swait.ge [sflag:s12], $0x1500  }
0x54: {  	[sflag:s12] =	ssyncset.done $0x0  }
0x55: {  	[sflag:s12] =	ssyncadd.s32 $0xFFFFEB00  }
0x56: {  	[tilespmem:s13], [sflag:$0x3] =	stream.linear.gather [hbm4b:s11+s25], $0x1500, $0x38;
	[tilespmem:$0x1E800] =	vst v63  }
0x57: {  	_ =	swait.ge [sflag:s12], $0x1500  }
0x58: {  	[sflag:s12] =	ssyncset.done $0x0  }
0x59: {  	[sflag:s12] =	ssyncadd.s32 $0xFFFFEB00  }
0x5a: {  	[tilespmem:s15], [sflag:$0x1] =	stream.indirect.gather [hbm4b:s1+s14], $0x80, s25, s14, $0xb8;
	[tilespmem:$0x1E800] =	vst v63  }
0x5b: {  	_ = 	snop  }
0x5c: {  	[tilespmem:s17], [sflag:$0x2] =	stream.indirect.gather [hbm4b:s1+s14], $0x80, s16, s14, $0xb8;
	[tilespmem:$0x1E800] =	vst v63  }
0x5d: {  	_ =	swait.ge [sflag:s20], $0x3C00  }
0x5e: {  	[sflag:s20] =	ssyncset.done $0x0  }
0x5f: {  	s29 =	simm.s32 $0x1800;
	[sflag:s20] =	ssyncadd.s32 $0xFFFFC400  }
0x60: {  	[spmem:s3] =	stream.indirect.scatter.add.f32 [tilespmem:s15], [sflag:$0x3], $0x80, s29, s14, $0xb8;
	[tilespmem:$0x1E800] =	vst v63  }
0x61: {  	_ =	swait.ge [sflag:s12], $0x3C00  }
0x62: {  	[sflag:s12] =	ssyncset.done $0x0  }
0x63: {  	s30 =	simm.s32 $0x100;
	[sflag:s12] =	ssyncadd.s32 $0xFFFFC400  }
0x64: {  	[tilespmem:s15], [sflag:$0x1] =	stream.indirect.gather [hbm4b:s1+s14], $0x80, s30, s14, $0xb8;
	[tilespmem:$0x1E800] =	vst v63  }
0x65: {  	_ =	swait.ge [sflag:s21], $0x3C00  }
0x66: {  	[sflag:s21] =	ssyncset.done $0x0  }
0x67: {  	s31 =	simm.s32 $0x1880;
	[sflag:s21] =	ssyncadd.s32 $0xFFFFC400  }
0x68: {  	[spmem:s3] =	stream.indirect.scatter.add.f32 [tilespmem:s17], [sflag:$0x3], $0x80, s31, s14, $0xb8;
	[tilespmem:$0x1E800] =	vst v63  }
0x69: {  	_ =	swait.ge [sflag:s12], $0x3C00  }
0x6a: {  	[sflag:s12] =	ssyncset.done $0x0  }
0x6b: {  	s26 =	simm.s32 $0x180;
	s25 =	simm.s32 $0x400;
	[sflag:s12] =	ssyncadd.s32 $0xFFFFC400  }
.LBB2_4:
0x6c: {  	[tilespmem:s17], [sflag:$0x2] =	stream.indirect.gather [hbm4b:s1+s14], $0x80, s26, s14, $0xb8;
	[tilespmem:$0x1E800] =	vst v63  }
0x6d: {  	s26 =	smov.u32 s25  }
0x6e: {  	p0 =	sne.s32 s25, $0x4C00;
	s25 =	sadd.s32 $0x400, s25;
	_ =	swait.ge [sflag:s20], $0x3C00  }
0x6f: {  	s26 =	sshra.s32 s26, $0x2;
	[sflag:s20] =	ssyncset.done $0x0  }
0x70: {  	s28 =	sadd.s32 $0x1800, s26;
	[sflag:s20] =	ssyncadd.s32 $0xFFFFC400  }
0x71: {  	[spmem:s3] =	stream.indirect.scatter.add.f32 [tilespmem:s15], [sflag:$0x3], $0x80, s28, s14, $0xb8;
	[tilespmem:$0x1E800] =	vst v63  }
0x72: {  	_ =	swait.ge [sflag:s12], $0x3C00  }
0x73: {  	[sflag:s12] =	ssyncset.done $0x0  }
0x74: {  	s28 =	sadd.s32 $0x100, s26;
	[sflag:s12] =	ssyncadd.s32 $0xFFFFC400  }
0x75: {  	[tilespmem:s15], [sflag:$0x1] =	stream.indirect.gather [hbm4b:s1+s14], $0x80, s28, s14, $0xb8;
	[tilespmem:$0x1E800] =	vst v63  }
0x76: {  	_ =	swait.ge [sflag:s21], $0x3C00  }
0x77: {  	[sflag:s21] =	ssyncset.done $0x0  }
.Ltmp1:
0x78: {  	s28 =	sadd.s32 $0x1880, s26;
	[sflag:s21] =	ssyncadd.s32 $0xFFFFC400;
	(pc) =	sbr.rel @p0 .LBB2_4-.Ltmp1, $4  }
0x79: {  	[spmem:s3] =	stream.indirect.scatter.add.f32 [tilespmem:s17], [sflag:$0x3], $0x80, s28, s14, $0xb8;
	[tilespmem:$0x1E800] =	vst v63  }
0x7a: {  	_ =	swait.ge [sflag:s12], $0x3C00  }
0x7b: {  	[sflag:s12] =	ssyncset.done $0x0  }
0x7c: {  	s26 =	sadd.s32 $0x180, s26;
	[sflag:s12] =	ssyncadd.s32 $0xFFFFC400  }
0x7d: {  	[tilespmem:s17], [sflag:$0x2] =	stream.indirect.gather [hbm4b:s1+s14], $0x80, s26, s14, $0xb8;
	[tilespmem:$0x1E800] =	vst v63  }
0x7e: {  	_ =	swait.ge [sflag:s20], $0x3C00  }
0x7f: {  	[sflag:s20] =	ssyncset.done $0x0  }
0x80: {  	[sflag:s20] =	ssyncadd.s32 $0xFFFFC400  }
0x81: {  	[spmem:s3] =	stream.indirect.scatter.add.f32 [tilespmem:s15], [sflag:$0x3], $0x80, s22, s14, $0xb8;
	[tilespmem:$0x1E800] =	vst v63  }
0x82: {  	_ =	swait.ge [sflag:s12], $0x3C00  }
0x83: {  	[sflag:s12] =	ssyncset.done $0x0  }
0x84: {  	[sflag:s12] =	ssyncadd.s32 $0xFFFFC400  }
0x85: {  	_ =	swait.ge [sflag:s21], $0x3C00  }
0x86: {  	[sflag:s21] =	ssyncset.done $0x0  }
0x87: {  	[sflag:s21] =	ssyncadd.s32 $0xFFFFC400  }
0x88: {  	[spmem:s3] =	stream.indirect.scatter.add.f32 [tilespmem:s17], [sflag:$0x3], $0x80, s23, s14, $0xb8;
	[tilespmem:$0x1E800] =	vst v63  }
0x89: {  	_ =	swait.ge [sflag:s12], $0x3C00  }
0x8a: {  	s24 =	sadd.s32 $0x1, s24;
	[sflag:s12] =	ssyncset.done $0x0  }
0x8b: {  	p0 =	sne.s32 s24, s7;
	[sflag:s12] =	ssyncadd.s32 $0xFFFFC400  }
.Ltmp2:
0x8c: {  	[bflag:$0x0] =	sbarrier.arrive $0xFFFF;
	(pc) =	sbr.rel @p0 .LBB2_1-.Ltmp2, $4  }
0x8d: {  	[hbm:s6], [sflag:s18] =	dma.local [spmem:s19], $0x2800  }
0x8e: {  	_ =	swait.ge [sflag:s12], $0x2800  }
0x8f: {  	[sflag:s12] =	ssyncset.done $0x0  }
0x90: {  	[sflag:s12] =	ssyncadd.s32 $0xFFFFD800  }
0x91: {  	_ =	sfence.sel $0x180000  }
0x92: {  	[bflag:$0x0] =	sbarrier.arrive $0xFFFF  }
0x93: {  	p0 =	sne.s32 s0, $0x0;
	_ =	strace $0x90000047  }
0x94: {  	s0 =	sadd.s32 @!p0 $0x100000, s2;
	[bflag:$0x2] =	sbarrier.arrive $0xFFFF  }
0x95: {  	[sflag:s0] =	ssyncadd.tile.s32 @!p0 $0x1;
	_ =	shalt  }
.Lfunc_end2:
_tile_overlayer_lowered:
.L_overlay_start_2:
0x96: {  	(tag) =	ssettag $0x2  }
0x97: {  	s0 =	rddreg [dreg:$0x0];
	s2 =	stileid.u32  }
0x98: {  	s1 =	rddreg [dreg:$0x1];
	p0 =	sne.s32 s2, $0x0  }
0x99: {  	s3 =	rddreg [dreg:$0x2];
	[bflag:$0x3] =	sbarrier.arrive $0xFFFF;
	s2 =	simm.s32 @!p0 $0x1C03  }
0x9a: {  	[timem:s3], [sflag:s2] =	dma.local @!p0 [hbm:s0], s1  }
0x9b: {  	s0 =	simm.s32 @!p0 $0x3  }
0x9c: {  	_ =	swait.ge @!p0 [sflag:s0], s1  }
0x9d: {  	s1 =	ssub.s32 @!p0 $0x0, s1;
	[sflag:s0] =	ssyncset.done @!p0 $0x0  }
0x9e: {  	[sflag:s0] =	ssyncadd.s32 @!p0 s1  }
0x9f: {  	[bflag:$0x3] =	sbarrier.arrive $0xFFFF  }
0xa0: {  	_ =	shalt  }

</sc_bundles>
